<compile_context>
chip_gen: v7x
topology: tpu7x:2x2x1
jax: 0.10.2.dev20260603
libtpu: 0.0.44.dev20260713+nightly
codegen_flags: <defaults>
</compile_context>

<pallas_src>
import jax
import jax.numpy as jnp
from jax import lax
from jax.experimental import pallas as pl
from jax.experimental.pallas import tpu as pltpu
from jax.experimental.pallas import tpu_sc as plsc

N = 10000
NP = 10240
D = 128
K = 5000
NE = 320000
NW = 32
CHUNK = 160
ECHUNK = 9984
ETAIL = NE - (NW - 1) * ECHUNK
B = 2560


def _rank_body(x_ref, w_ref, b_ref, out_ref, scol_ref, srow_ref, acc_ref,
               rowpart_ref, colacc_ref):
    bi = pl.program_id(0)
    bj = pl.program_id(1)

    @pl.when(bi == 0)
    def _scores():
        s = (
            jnp.dot(x_ref[...], w_ref[...], preferred_element_type=jnp.float32)
            + b_ref[0, 0]
        )
        row = bj * B + lax.broadcasted_iota(jnp.int32, (B, 1), 0)
        s = jnp.where(row < N, s, -jnp.inf)
        scol_ref[pl.ds(bj * B, B), :] = s
        srow_ref[:, pl.ds(bj * B, B)] = s.T

    si = scol_ref[pl.ds(bi * B, B), :]
    sj = srow_ref[:, pl.ds(bj * B, B)]
    ones_col = jnp.ones((B, 1), jnp.bfloat16)

    @pl.when(bj == 0)
    def _init():
        acc_ref[...] = jnp.zeros_like(acc_ref)

    @pl.when((bi == 0) & (bj == 0))
    def _initcol():
        colacc_ref[...] = jnp.zeros_like(colacc_ref)

    @pl.when(bj < bi)
    def _below():
        c = jnp.where(sj >= si, 1.0, 0.0)
        acc_ref[...] += jnp.dot(
            c.astype(jnp.bfloat16), ones_col,
            preferred_element_type=jnp.float32,
        )
        colacc_ref[:, pl.ds(bj * B, B)] += float(B) - jnp.sum(
            c, axis=0, keepdims=True
        )

    @pl.when(bj == bi)
    def _diag():
        ii = lax.broadcasted_iota(jnp.int32, (B, 1), 0)
        jj = lax.broadcasted_iota(jnp.int32, (1, B), 1)
        before = (sj > si) | ((sj == si) & (jj < ii))
        acc_ref[...] += jnp.dot(
            jnp.where(before, 1.0, 0.0).astype(jnp.bfloat16), ones_col,
            preferred_element_type=jnp.float32,
        )
        rowpart_ref[:, pl.ds(bi * B, B)] = acc_ref[...].T

    @pl.when((bi == NP // B - 1) & (bj == NP // B - 1))
    def _emit():
        out_ref[...] = (rowpart_ref[...] + colacc_ref[...]).astype(jnp.int32)


def _sc_body(rank_hbm, edge_hbm, x_hbm, perm_hbm, pooled_hbm, eout_hbm,
             rank_v, perm_v, rows_v, ebuf, sem_e, sem_g):
    wid = lax.axis_index("s") * 2 + lax.axis_index("c")
    lo = wid * CHUNK

    pltpu.sync_copy(rank_hbm.at[0], rank_v)

    ebase = wid * ECHUNK

    @pl.when(wid < NW - 1)
    def _estart():
        pltpu.make_async_copy(
            edge_hbm.at[:, pl.ds(ebase, ECHUNK)],
            ebuf.at[:, pl.ds(0, ECHUNK)], sem_e,
        ).start()

    @pl.when(wid == NW - 1)
    def _estart_tail():
        pltpu.make_async_copy(
            edge_hbm.at[:, pl.ds(NE - ETAIL, ETAIL)], ebuf, sem_e
        ).start()

    def body_a(t, carry):
        r = rank_v[pl.ds(t * 16, 16)]
        m = (r >= lo) & (r < lo + CHUNK)
        vals = t * 16 + lax.iota(jnp.int32, 16)
        plsc.store_scatter(perm_v, [r - lo], vals, mask=m)
        return carry

    lax.fori_loop(0, NP // 16, body_a, 0)

    g1 = pltpu.make_async_copy(
        x_hbm.at[perm_v.at[pl.ds(0, 80)]], rows_v.at[pl.ds(0, 80)], sem_g
    )
    g2 = pltpu.make_async_copy(
        x_hbm.at[perm_v.at[pl.ds(80, 80)]], rows_v.at[pl.ds(80, 80)], sem_g
    )
    g1.start()
    g2.start()

    @pl.when(wid < NW - 1)
    def _ewait():
        pltpu.make_async_copy(
            edge_hbm.at[:, pl.ds(ebase, ECHUNK)],
            ebuf.at[:, pl.ds(0, ECHUNK)], sem_e,
        ).wait()

    @pl.when(wid == NW - 1)
    def _ewait_tail():
        pltpu.make_async_copy(
            edge_hbm.at[:, pl.ds(NE - ETAIL, ETAIL)], ebuf, sem_e
        ).wait()

    def body_c(t, carry):
        e0 = ebuf[0, pl.ds(t * 16, 16)]
        r0 = plsc.load_gather(rank_v, [e0])
        ebuf[0, pl.ds(t * 16, 16)] = jnp.where(r0 < K, r0, 0)
        e1 = ebuf[1, pl.ds(t * 16, 16)]
        r1 = plsc.load_gather(rank_v, [e1])
        ebuf[1, pl.ds(t * 16, 16)] = jnp.where(r1 < K, r1, 0)
        return carry

    nsteps = jnp.where(wid == NW - 1, ETAIL // 16, ECHUNK // 16)
    lax.fori_loop(0, nsteps, body_c, 0)

    @pl.when(wid < NW - 1)
    def _eout():
        pltpu.sync_copy(
            ebuf.at[:, pl.ds(0, ECHUNK)], eout_hbm.at[:, pl.ds(ebase, ECHUNK)]
        )

    @pl.when(wid == NW - 1)
    def _eout_tail():
        pltpu.sync_copy(ebuf, eout_hbm.at[:, pl.ds(NE - ETAIL, ETAIL)])

    g1.wait()
    g2.wait()

    @pl.when(wid < NW - 1)
    def _full():
        pltpu.sync_copy(perm_v, perm_hbm.at[pl.ds(lo, CHUNK)])
        pltpu.sync_copy(rows_v, pooled_hbm.at[pl.ds(lo, CHUNK)])

    @pl.when(wid == NW - 1)
    def _tail():
        pltpu.sync_copy(perm_v.at[pl.ds(0, 40)], perm_hbm.at[pl.ds(K - 40, 40)])
        pltpu.sync_copy(rows_v.at[pl.ds(0, 40)], pooled_hbm.at[pl.ds(K - 40, 40)])


_sc_call = pl.kernel(
    _sc_body,
    out_type=(
        jax.ShapeDtypeStruct((K,), jnp.int32),
        jax.ShapeDtypeStruct((K, D), jnp.float32),
        jax.ShapeDtypeStruct((2, NE), jnp.int32),
    ),
    mesh=plsc.VectorSubcoreMesh(core_axis_name="c", subcore_axis_name="s"),
    compiler_params=pltpu.CompilerParams(needs_layout_passes=False),
    scratch_types=[
        pltpu.VMEM((NP,), jnp.int32),
        pltpu.VMEM((CHUNK,), jnp.int32),
        pltpu.VMEM((CHUNK, D), jnp.float32),
        pltpu.VMEM((2, ETAIL), jnp.int32),
        pltpu.SemaphoreType.DMA,
        pltpu.SemaphoreType.DMA,
    ],
)


def kernel(x, edge_index, W, b):
    rank = pl.pallas_call(
        _rank_body,
        grid=(NP // B, NP // B),
        in_specs=[
            pl.BlockSpec((B, D), lambda i, j: (jnp.where(i == 0, j, 0), 0)),
            pl.BlockSpec((D, 1), lambda i, j: (0, 0)),
            pl.BlockSpec((1, 1), lambda i, j: (0, 0)),
        ],
        out_specs=pl.BlockSpec((1, NP), lambda i, j: (0, 0)),
        out_shape=jax.ShapeDtypeStruct((1, NP), jnp.int32),
        scratch_shapes=[
            pltpu.VMEM((NP, 1), jnp.float32),
            pltpu.VMEM((1, NP), jnp.float32),
            pltpu.VMEM((B, 1), jnp.float32),
            pltpu.VMEM((1, NP), jnp.float32),
            pltpu.VMEM((1, NP), jnp.float32),
        ],
    )(x, W, b.reshape(1, 1))

    perm, pooled, eout = _sc_call(rank, edge_index, x)
    return pooled, eout, perm

# --- scband reference (transcript-rebuilt; emitter-appended) ---
"""Pipeline reference for scband-topological-pool-56573309223829 (READ-ONLY COPY).

The authoritative reference and input builder live on the scoring server;
editing this copy changes nothing except your own understanding.
"""

import jax, jax.numpy as jnp
import numpy as np

N_NODES = 10000
N_EDGES = 320000
D = 128
RATIO = 0.5


def setup_inputs(seed: int = 0) -> dict:
    key = jax.random.key(seed)
    k1, k2, k3, k4 = jax.random.split(key, 4)
    x = jax.random.normal(k1, (N_NODES, D), dtype=jnp.float32)
    edge_index = jax.random.randint(k2, (2, N_EDGES), 0, N_NODES, dtype=jnp.int32)
    W = jax.random.normal(k3, (D, 1), dtype=jnp.float32) * (1.0 / np.sqrt(D))
    b = jax.random.normal(k4, (1,), dtype=jnp.float32) * 0.01
    return {"x": x, "edge_index": edge_index, "W": W, "b": b}


def reference(x, edge_index, W, b):
    # scores = score_net(x).squeeze(-1)  (Linear in_channels -> 1)
    scores = (x @ W + b)[:, 0]
    # diagram is None in this configuration -> no topo score addition
    perm = jnp.argsort(-scores)  # descending sort
    n_keep = max(1, int(x.shape[0] * RATIO))
    perm = perm[:n_keep]
    new_index_map = jnp.zeros((x.shape[0],), dtype=jnp.int32).at[perm].set(
        jnp.arange(n_keep, dtype=jnp.int32)
    )
    pooled_x = x[perm]
    row = edge_index[0]
    col = edge_index[1]
    # Faithful to original: map initialized with zeros, so mask is all-True
    mask = (new_index_map[row] != -1) & (new_index_map[col] != -1)
    mapped = jnp.stack([new_index_map[row], new_index_map[col]])
    edge_index_pooled = jnp.where(mask[None, :], mapped, jnp.int32(0))
    return (pooled_x, edge_index_pooled, perm)

if __name__ == "__main__":
    import jax
    _d = setup_inputs()
    print(jax.jit(kernel)(*tuple(_d.values())))

</pallas_src>

<mosaic_0001>
#map = affine_map<(d0, d1) -> (0, 0)>
#map1 = affine_map<(d0, d1) -> (0)>
module attributes {stable_mosaic.version = 14 : i64} {
  func.func @_sc_body(%arg0: i32, %arg1: i32, %arg2: memref<1x10240xi32, #tpu.memory_space<hbm>>, %arg3: memref<2x320000xi32, #tpu.memory_space<hbm>>, %arg4: memref<10000x128xf32, #tpu.memory_space<hbm>>, %arg5: memref<5000xi32, #tpu.memory_space<hbm>>, %arg6: memref<5000x128xf32, #tpu.memory_space<hbm>>, %arg7: memref<2x320000xi32, #tpu.memory_space<hbm>>, %arg8: memref<10240xi32, #tpu.memory_space<vmem>>, %arg9: memref<160xi32, #tpu.memory_space<vmem>>, %arg10: memref<160x128xf32, #tpu.memory_space<vmem>>, %arg11: memref<2x10496xi32, #tpu.memory_space<vmem>>, %arg12: memref<!tpu.dma_semaphore, #tpu.memory_space<semaphore_mem>>, %arg13: memref<!tpu.dma_semaphore, #tpu.memory_space<semaphore_mem>>) attributes {dimension_semantics = [#tpu.dimension_semantics<core_parallel>, #tpu.dimension_semantics<subcore_parallel>], iteration_bounds = array<i64: 2, 16>, scalar_prefetch = 0 : i64, scratch_operands = 6 : i64, tpu.core_type = #tpu.core_type<sc_vector_subcore>, window_params = [{transform_indices = #map}, {transform_indices = #map}, {transform_indices = #map}, {transform_indices = #map1}, {transform_indices = #map}, {transform_indices = #map}]} {
    %mul3A = arith.constant 2 : i32
    %mul3A_0 = arith.muli %arg1, %mul3A : i32
    %add3A = arith.addi %mul3A_0, %arg0 : i32
    %mul3A_1 = arith.constant 160 : i32
    %mul3A_2 = arith.muli %add3A, %mul3A_1 : i32
    %run_scoped3A = arith.constant 0 : i32
    "tpu.region"() ({
      %run_scoped3A_88 = tpu.sem_alloc : memref<!tpu.dma_semaphore, #tpu.memory_space<semaphore_mem>>
      %dma_start3A_89 = arith.constant 0 : i32
      %dma_start3A_90 = tpu.memref_slice %arg2[%run_scoped3A, %dma_start3A_89] : memref<1x10240xi32, #tpu.memory_space<hbm>> -> memref<1x10240xi32, #tpu.memory_space<hbm>>
      %dma_start3A_91 = tpu.memref_squeeze %dma_start3A_90 : memref<1x10240xi32, #tpu.memory_space<hbm>> -> memref<10240xi32, #tpu.memory_space<hbm>>
      %dma_start3A_92 = arith.constant 0 : i32
      %dma_start3A_93 = tpu.memref_slice %arg2[%run_scoped3A, %dma_start3A_92] : memref<1x10240xi32, #tpu.memory_space<hbm>> -> memref<1x10240xi32, #tpu.memory_space<hbm>>
      %dma_start3A_94 = tpu.memref_squeeze %dma_start3A_93 : memref<1x10240xi32, #tpu.memory_space<hbm>> -> memref<10240xi32, #tpu.memory_space<hbm>>
      tpu.enqueue_dma source(%dma_start3A_94 : memref<10240xi32, #tpu.memory_space<hbm>>) target(%arg8 : memref<10240xi32, #tpu.memory_space<vmem>>) target_semaphore(%run_scoped3A_88 : memref<!tpu.dma_semaphore, #tpu.memory_space<semaphore_mem>>)
      %dma_wait3A_95 = arith.constant 0 : i32
      %dma_wait3A_96 = tpu.memref_slice %arg2[%run_scoped3A, %dma_wait3A_95] : memref<1x10240xi32, #tpu.memory_space<hbm>> -> memref<1x10240xi32, #tpu.memory_space<hbm>>
      %dma_wait3A_97 = tpu.memref_squeeze %dma_wait3A_96 : memref<1x10240xi32, #tpu.memory_space<hbm>> -> memref<10240xi32, #tpu.memory_space<hbm>>
      %dma_wait3A_98 = arith.constant 0 : i32
      %dma_wait3A_99 = tpu.memref_slice %arg2[%run_scoped3A, %dma_wait3A_98] : memref<1x10240xi32, #tpu.memory_space<hbm>> -> memref<1x10240xi32, #tpu.memory_space<hbm>>
      %dma_wait3A_100 = tpu.memref_squeeze %dma_wait3A_99 : memref<1x10240xi32, #tpu.memory_space<hbm>> -> memref<10240xi32, #tpu.memory_space<hbm>>
      tpu.wait_dma2 semaphore(%run_scoped3A_88 : memref<!tpu.dma_semaphore, #tpu.memory_space<semaphore_mem>>) src(%dma_wait3A_100 : memref<10240xi32, #tpu.memory_space<hbm>>) dst(%arg8 : memref<10240xi32, #tpu.memory_space<vmem>>)
      tpu.yield
    }) : () -> ()
    %mul3A_3 = arith.constant 9984 : i32
    %mul3A_4 = arith.muli %add3A, %mul3A_3 : i32
    %lt3A = arith.constant 31 : i32
    %lt3A_5 = arith.cmpi slt, %add3A, %lt3A : i32
    %convert_element_type3A = arith.extui %lt3A_5 : i1 to i32
    %cond3A = arith.constant 0 : i32
    %cond3A_6 = arith.cmpi ne, %convert_element_type3A, %cond3A : i32
    scf.if %cond3A_6 {
      %dma_start3A_88 = arith.constant 0 : i32
      %dma_start3A_89 = arith.constant 0 : i32
      %dma_start3A_90 = tpu.memref_slice %arg11[%dma_start3A_88, %dma_start3A_89] : memref<2x10496xi32, #tpu.memory_space<vmem>> -> memref<2x9984xi32, #tpu.memory_space<vmem>>
      %dma_start3A_91 = arith.constant 0 : i32
      %dma_start3A_92 = tpu.memref_slice %arg3[%dma_start3A_91, %mul3A_4] : memref<2x320000xi32, #tpu.memory_space<hbm>> -> memref<2x9984xi32, #tpu.memory_space<hbm>>
      %dma_start3A_93 = arith.constant 0 : i32
      %dma_start3A_94 = arith.constant 0 : i32
      %dma_start3A_95 = tpu.memref_slice %arg11[%dma_start3A_93, %dma_start3A_94] : memref<2x10496xi32, #tpu.memory_space<vmem>> -> memref<2x9984xi32, #tpu.memory_space<vmem>>
      %dma_start3A_96 = arith.constant 0 : i32
      %dma_start3A_97 = tpu.memref_slice %arg3[%dma_start3A_96, %mul3A_4] : memref<2x320000xi32, #tpu.memory_space<hbm>> -> memref<2x9984xi32, #tpu.memory_space<hbm>>
      tpu.enqueue_dma source(%dma_start3A_97 : memref<2x9984xi32, #tpu.memory_space<hbm>>) target(%dma_start3A_95 : memref<2x9984xi32, #tpu.memory_space<vmem>>) target_semaphore(%arg12 : memref<!tpu.dma_semaphore, #tpu.memory_space<semaphore_mem>>)
    } else {
    }
    %eq3A = arith.constant 31 : i32
    %eq3A_7 = arith.cmpi eq, %add3A, %eq3A : i32
    %convert_element_type3A_8 = arith.extui %eq3A_7 : i1 to i32
    %cond3A_9 = arith.constant 0 : i32
    %cond3A_10 = arith.cmpi ne, %convert_element_type3A_8, %cond3A_9 : i32
    scf.if %cond3A_10 {
      %dma_start3A_88 = arith.constant 0 : i32
      %dma_start3A_89 = arith.constant 309504 : i32
      %dma_start3A_90 = tpu.memref_slice %arg3[%dma_start3A_88, %dma_start3A_89] : memref<2x320000xi32, #tpu.memory_space<hbm>> -> memref<2x10496xi32, #tpu.memory_space<hbm>>
      %dma_start3A_91 = arith.constant 0 : i32
      %dma_start3A_92 = arith.constant 309504 : i32
      %dma_start3A_93 = tpu.memref_slice %arg3[%dma_start3A_91, %dma_start3A_92] : memref<2x320000xi32, #tpu.memory_space<hbm>> -> memref<2x10496xi32, #tpu.memory_space<hbm>>
      tpu.enqueue_dma source(%dma_start3A_93 : memref<2x10496xi32, #tpu.memory_space<hbm>>) target(%arg11 : memref<2x10496xi32, #tpu.memory_space<vmem>>) target_semaphore(%arg12 : memref<!tpu.dma_semaphore, #tpu.memory_space<semaphore_mem>>)
    } else {
    }
    %scan3A = arith.constant 0 : i32
    %scan3A_11 = arith.constant 0 : i32
    %scan3A_12 = arith.constant 640 : i32
    %scan3A_13 = arith.addi %scan3A_11, %scan3A_12 : i32
    %scan3A_14 = arith.constant 1 : i32
    scf.for %scan3A_88 = %scan3A_11 to %scan3A_13 step %scan3A_14  : i32 {
      %mul3A_89 = arith.constant 16 : i32
      %mul3A_90 = arith.muli %scan3A_88, %mul3A_89 : i32
      %get3A = arith.index_cast %mul3A_90 : i32 to index
      %get3A_91 = tpu.vector_load %arg8[%get3A] {strides = array<i32>} : memref<10240xi32, #tpu.memory_space<vmem>>, vector<16xi32>,
      %ge3A = vector.broadcast %mul3A_2 : i32 to vector<16xi32>
      %ge3A_92 = arith.cmpi sge, %get3A_91, %ge3A : vector<16xi32>
      %add3A_93 = arith.constant 160 : i32
      %add3A_94 = arith.addi %mul3A_2, %add3A_93 : i32
      %lt3A_95 = vector.broadcast %add3A_94 : i32 to vector<16xi32>
      %lt3A_96 = arith.cmpi slt, %get3A_91, %lt3A_95 : vector<16xi32>
      %and3A = arith.andi %ge3A_92, %lt3A_96 : vector<16xi1>
      %mul3A_97 = arith.constant 16 : i32
      %mul3A_98 = arith.muli %scan3A_88, %mul3A_97 : i32
      %iota3A = tpu.iota {dimensions = array<i32: 0>} : vector<16xi32>
      %add3A_99 = vector.broadcast %mul3A_98 : i32 to vector<16xi32>
      %add3A_100 = arith.addi %add3A_99, %iota3A : vector<16xi32>
      %sub3A = vector.broadcast %mul3A_2 : i32 to vector<16xi32>
      %sub3A_101 = arith.subi %get3A_91, %sub3A : vector<16xi32>
      tpu.vector_store_idx %arg9[%sub3A_101], %add3A_100 masked %and3A : memref<160xi32, #tpu.memory_space<vmem>>[vector<16xi32>], vector<16xi32>, vector<16xi1>
    }
    %scan3A_15 = arith.constant 640 : i32
    %dma_start3A = arith.constant 0 : i32
    %dma_start3A_16 = arith.constant 0 : i32
    %dma_start3A_17 = tpu.memref_slice %arg10[%dma_start3A, %dma_start3A_16] : memref<160x128xf32, #tpu.memory_space<vmem>> -> memref<80x128xf32, #tpu.memory_space<vmem>>
    %dma_start3A_18 = arith.constant 0 : i32
    %dma_start3A_19 = tpu.memref_slice %arg9[%dma_start3A_18] : memref<160xi32, #tpu.memory_space<vmem>> -> memref<80xi32, #tpu.memory_space<vmem>>
    %dma_start3A_20 = arith.constant 0 : i32
    %dma_start3A_21 = arith.constant 0 : i32
    %dma_start3A_22 = tpu.memref_slice %arg4[%dma_start3A_20, %dma_start3A_21] : memref<10000x128xf32, #tpu.memory_space<hbm>> -> memref<10000x128xf32, #tpu.memory_space<hbm>>
    tpu.enqueue_indirect_dma source(%dma_start3A_22 : memref<10000x128xf32, #tpu.memory_space<hbm>>) target(%dma_start3A_17 : memref<80x128xf32, #tpu.memory_space<vmem>>) offsets(%dma_start3A_19 : memref<80xi32, #tpu.memory_space<vmem>>) semaphore(%arg13 : memref<!tpu.dma_semaphore, #tpu.memory_space<semaphore_mem>>)
    %dma_start3A_23 = arith.constant 80 : i32
    %dma_start3A_24 = arith.constant 0 : i32
    %dma_start3A_25 = tpu.memref_slice %arg10[%dma_start3A_23, %dma_start3A_24] : memref<160x128xf32, #tpu.memory_space<vmem>> -> memref<80x128xf32, #tpu.memory_space<vmem>>
    %dma_start3A_26 = arith.constant 80 : i32
    %dma_start3A_27 = tpu.memref_slice %arg9[%dma_start3A_26] : memref<160xi32, #tpu.memory_space<vmem>> -> memref<80xi32, #tpu.memory_space<vmem>>
    %dma_start3A_28 = arith.constant 0 : i32
    %dma_start3A_29 = arith.constant 0 : i32
    %dma_start3A_30 = tpu.memref_slice %arg4[%dma_start3A_28, %dma_start3A_29] : memref<10000x128xf32, #tpu.memory_space<hbm>> -> memref<10000x128xf32, #tpu.memory_space<hbm>>
    tpu.enqueue_indirect_dma source(%dma_start3A_30 : memref<10000x128xf32, #tpu.memory_space<hbm>>) target(%dma_start3A_25 : memref<80x128xf32, #tpu.memory_space<vmem>>) offsets(%dma_start3A_27 : memref<80xi32, #tpu.memory_space<vmem>>) semaphore(%arg13 : memref<!tpu.dma_semaphore, #tpu.memory_space<semaphore_mem>>)
    %lt3A_31 = arith.constant 31 : i32
    %lt3A_32 = arith.cmpi slt, %add3A, %lt3A_31 : i32
    %convert_element_type3A_33 = arith.extui %lt3A_32 : i1 to i32
    %cond3A_34 = arith.constant 0 : i32
    %cond3A_35 = arith.cmpi ne, %convert_element_type3A_33, %cond3A_34 : i32
    scf.if %cond3A_35 {
      %dma_wait3A_88 = arith.constant 0 : i32
      %dma_wait3A_89 = arith.constant 0 : i32
      %dma_wait3A_90 = tpu.memref_slice %arg11[%dma_wait3A_88, %dma_wait3A_89] : memref<2x10496xi32, #tpu.memory_space<vmem>> -> memref<2x9984xi32, #tpu.memory_space<vmem>>
      %dma_wait3A_91 = arith.constant 0 : i32
      %dma_wait3A_92 = tpu.memref_slice %arg3[%dma_wait3A_91, %mul3A_4] : memref<2x320000xi32, #tpu.memory_space<hbm>> -> memref<2x9984xi32, #tpu.memory_space<hbm>>
      %dma_wait3A_93 = arith.constant 0 : i32
      %dma_wait3A_94 = arith.constant 0 : i32
      %dma_wait3A_95 = tpu.memref_slice %arg11[%dma_wait3A_93, %dma_wait3A_94] : memref<2x10496xi32, #tpu.memory_space<vmem>> -> memref<2x9984xi32, #tpu.memory_space<vmem>>
      %dma_wait3A_96 = arith.constant 0 : i32
      %dma_wait3A_97 = tpu.memref_slice %arg3[%dma_wait3A_96, %mul3A_4] : memref<2x320000xi32, #tpu.memory_space<hbm>> -> memref<2x9984xi32, #tpu.memory_space<hbm>>
      tpu.wait_dma2 semaphore(%arg12 : memref<!tpu.dma_semaphore, #tpu.memory_space<semaphore_mem>>) src(%dma_wait3A_97 : memref<2x9984xi32, #tpu.memory_space<hbm>>) dst(%dma_wait3A_95 : memref<2x9984xi32, #tpu.memory_space<vmem>>)
    } else {
    }
    %eq3A_36 = arith.constant 31 : i32
    %eq3A_37 = arith.cmpi eq, %add3A, %eq3A_36 : i32
    %convert_element_type3A_38 = arith.extui %eq3A_37 : i1 to i32
    %cond3A_39 = arith.constant 0 : i32
    %cond3A_40 = arith.cmpi ne, %convert_element_type3A_38, %cond3A_39 : i32
    scf.if %cond3A_40 {
      %dma_wait3A_88 = arith.constant 0 : i32
      %dma_wait3A_89 = arith.constant 309504 : i32
      %dma_wait3A_90 = tpu.memref_slice %arg3[%dma_wait3A_88, %dma_wait3A_89] : memref<2x320000xi32, #tpu.memory_space<hbm>> -> memref<2x10496xi32, #tpu.memory_space<hbm>>
      %dma_wait3A_91 = arith.constant 0 : i32
      %dma_wait3A_92 = arith.constant 309504 : i32
      %dma_wait3A_93 = tpu.memref_slice %arg3[%dma_wait3A_91, %dma_wait3A_92] : memref<2x320000xi32, #tpu.memory_space<hbm>> -> memref<2x10496xi32, #tpu.memory_space<hbm>>
      tpu.wait_dma2 semaphore(%arg12 : memref<!tpu.dma_semaphore, #tpu.memory_space<semaphore_mem>>) src(%dma_wait3A_93 : memref<2x10496xi32, #tpu.memory_space<hbm>>) dst(%arg11 : memref<2x10496xi32, #tpu.memory_space<vmem>>)
    } else {
    }
    %eq3A_41 = arith.constant 31 : i32
    %eq3A_42 = arith.cmpi eq, %add3A, %eq3A_41 : i32
    %jit3A = arith.constant 656 : i32
    %jit3A_43 = arith.constant 624 : i32
    %select_n3A = arith.select %eq3A_42, %jit3A, %jit3A_43 : i32
    %while3A = arith.constant 0 : i32
    %while3A_44 = arith.constant 0 : i32
    %while3A_45 = arith.subi %select_n3A, %while3A_44 : i32
    %while3A_46 = arith.addi %while3A_44, %while3A_45 : i32
    %while3A_47 = arith.constant 1 : i32
    %while3A_48 = arith.divsi %while3A_45, %while3A_47 : i32
    %while3A_49 = arith.muli %while3A_48, %while3A_47 : i32
    %while3A_50 = arith.addi %while3A_44, %while3A_49 : i32
    %while3A_51 = arith.constant 1 : i32
    scf.for %while3A_88 = %while3A_44 to %while3A_50 step %while3A_51  : i32 {
      %mul3A_89 = arith.constant 16 : i32
      %mul3A_90 = arith.muli %while3A_88, %mul3A_89 : i32
      %get3A = arith.constant 0 : i32
      %get3A_91 = arith.index_cast %get3A : i32 to index
      %get3A_92 = arith.index_cast %mul3A_90 : i32 to index
      %get3A_93 = tpu.vector_load %arg11[%get3A_91, %get3A_92] {strides = array<i32>} : memref<2x10496xi32, #tpu.memory_space<vmem>>, vector<16xi32>,
      %gather3A = tpu.vector_load_idx %arg8[%get3A_93] : memref<10240xi32, #tpu.memory_space<vmem>>[vector<16xi32>], vector<16xi32>,
      %lt3A_94 = arith.constant 5000 : i32
      %lt3A_95 = vector.broadcast %lt3A_94 : i32 to vector<16xi32>
      %lt3A_96 = arith.cmpi slt, %gather3A, %lt3A_95 : vector<16xi32>
      %jit3A_97 = arith.constant 0 : i32
      %broadcast_in_dim3A = vector.broadcast %jit3A_97 : i32 to vector<16xi32>
      %select_n3A_98 = arith.select %lt3A_96, %gather3A, %broadcast_in_dim3A : vector<16xi1>, vector<16xi32>
      %mul3A_99 = arith.constant 16 : i32
      %mul3A_100 = arith.muli %while3A_88, %mul3A_99 : i32
      %swap3A = arith.constant 0 : i32
      %swap3A_101 = arith.index_cast %swap3A : i32 to index
      %swap3A_102 = arith.index_cast %mul3A_100 : i32 to index
      %swap3A_103 = tpu.vector_load %arg11[%swap3A_101, %swap3A_102] {strides = array<i32>} : memref<2x10496xi32, #tpu.memory_space<vmem>>, vector<16xi32>,
      tpu.vector_store %arg11[%swap3A_101, %swap3A_102], %select_n3A_98 {strides = array<i32>} : memref<2x10496xi32, #tpu.memory_space<vmem>>, vector<16xi32>,
      %mul3A_104 = arith.constant 16 : i32
      %mul3A_105 = arith.muli %while3A_88, %mul3A_104 : i32
      %get3A_106 = arith.constant 1 : i32
      %get3A_107 = arith.index_cast %get3A_106 : i32 to index
      %get3A_108 = arith.index_cast %mul3A_105 : i32 to index
      %get3A_109 = tpu.vector_load %arg11[%get3A_107, %get3A_108] {strides = array<i32>} : memref<2x10496xi32, #tpu.memory_space<vmem>>, vector<16xi32>,
      %gather3A_110 = tpu.vector_load_idx %arg8[%get3A_109] : memref<10240xi32, #tpu.memory_space<vmem>>[vector<16xi32>], vector<16xi32>,
      %lt3A_111 = arith.constant 5000 : i32
      %lt3A_112 = vector.broadcast %lt3A_111 : i32 to vector<16xi32>
      %lt3A_113 = arith.cmpi slt, %gather3A_110, %lt3A_112 : vector<16xi32>
      %jit3A_114 = arith.constant 0 : i32
      %broadcast_in_dim3A_115 = vector.broadcast %jit3A_114 : i32 to vector<16xi32>
      %select_n3A_116 = arith.select %lt3A_113, %gather3A_110, %broadcast_in_dim3A_115 : vector<16xi1>, vector<16xi32>
      %mul3A_117 = arith.constant 16 : i32
      %mul3A_118 = arith.muli %while3A_88, %mul3A_117 : i32
      %swap3A_119 = arith.constant 1 : i32
      %swap3A_120 = arith.index_cast %swap3A_119 : i32 to index
      %swap3A_121 = arith.index_cast %mul3A_118 : i32 to index
      %swap3A_122 = tpu.vector_load %arg11[%swap3A_120, %swap3A_121] {strides = array<i32>} : memref<2x10496xi32, #tpu.memory_space<vmem>>, vector<16xi32>,
      tpu.vector_store %arg11[%swap3A_120, %swap3A_121], %select_n3A_116 {strides = array<i32>} : memref<2x10496xi32, #tpu.memory_space<vmem>>, vector<16xi32>,
    }
    %while3A_52 = arith.constant 1 : i32
    scf.for %while3A_88 = %while3A_50 to %while3A_46 step %while3A_52  : i32 {
      %mul3A_89 = arith.constant 16 : i32
      %mul3A_90 = arith.muli %while3A_88, %mul3A_89 : i32
      %get3A = arith.constant 0 : i32
      %get3A_91 = arith.index_cast %get3A : i32 to index
      %get3A_92 = arith.index_cast %mul3A_90 : i32 to index
      %get3A_93 = tpu.vector_load %arg11[%get3A_91, %get3A_92] {strides = array<i32>} : memref<2x10496xi32, #tpu.memory_space<vmem>>, vector<16xi32>,
      %gather3A = tpu.vector_load_idx %arg8[%get3A_93] : memref<10240xi32, #tpu.memory_space<vmem>>[vector<16xi32>], vector<16xi32>,
      %lt3A_94 = arith.constant 5000 : i32
      %lt3A_95 = vector.broadcast %lt3A_94 : i32 to vector<16xi32>
      %lt3A_96 = arith.cmpi slt, %gather3A, %lt3A_95 : vector<16xi32>
      %jit3A_97 = arith.constant 0 : i32
      %broadcast_in_dim3A = vector.broadcast %jit3A_97 : i32 to vector<16xi32>
      %select_n3A_98 = arith.select %lt3A_96, %gather3A, %broadcast_in_dim3A : vector<16xi1>, vector<16xi32>
      %mul3A_99 = arith.constant 16 : i32
      %mul3A_100 = arith.muli %while3A_88, %mul3A_99 : i32
      %swap3A = arith.constant 0 : i32
      %swap3A_101 = arith.index_cast %swap3A : i32 to index
      %swap3A_102 = arith.index_cast %mul3A_100 : i32 to index
      %swap3A_103 = tpu.vector_load %arg11[%swap3A_101, %swap3A_102] {strides = array<i32>} : memref<2x10496xi32, #tpu.memory_space<vmem>>, vector<16xi32>,
      tpu.vector_store %arg11[%swap3A_101, %swap3A_102], %select_n3A_98 {strides = array<i32>} : memref<2x10496xi32, #tpu.memory_space<vmem>>, vector<16xi32>,
      %mul3A_104 = arith.constant 16 : i32
      %mul3A_105 = arith.muli %while3A_88, %mul3A_104 : i32
      %get3A_106 = arith.constant 1 : i32
      %get3A_107 = arith.index_cast %get3A_106 : i32 to index
      %get3A_108 = arith.index_cast %mul3A_105 : i32 to index
      %get3A_109 = tpu.vector_load %arg11[%get3A_107, %get3A_108] {strides = array<i32>} : memref<2x10496xi32, #tpu.memory_space<vmem>>, vector<16xi32>,
      %gather3A_110 = tpu.vector_load_idx %arg8[%get3A_109] : memref<10240xi32, #tpu.memory_space<vmem>>[vector<16xi32>], vector<16xi32>,
      %lt3A_111 = arith.constant 5000 : i32
      %lt3A_112 = vector.broadcast %lt3A_111 : i32 to vector<16xi32>
      %lt3A_113 = arith.cmpi slt, %gather3A_110, %lt3A_112 : vector<16xi32>
      %jit3A_114 = arith.constant 0 : i32
      %broadcast_in_dim3A_115 = vector.broadcast %jit3A_114 : i32 to vector<16xi32>
      %select_n3A_116 = arith.select %lt3A_113, %gather3A_110, %broadcast_in_dim3A_115 : vector<16xi1>, vector<16xi32>
      %mul3A_117 = arith.constant 16 : i32
      %mul3A_118 = arith.muli %while3A_88, %mul3A_117 : i32
      %swap3A_119 = arith.constant 1 : i32
      %swap3A_120 = arith.index_cast %swap3A_119 : i32 to index
      %swap3A_121 = arith.index_cast %mul3A_118 : i32 to index
      %swap3A_122 = tpu.vector_load %arg11[%swap3A_120, %swap3A_121] {strides = array<i32>} : memref<2x10496xi32, #tpu.memory_space<vmem>>, vector<16xi32>,
      tpu.vector_store %arg11[%swap3A_120, %swap3A_121], %select_n3A_116 {strides = array<i32>} : memref<2x10496xi32, #tpu.memory_space<vmem>>, vector<16xi32>,
    }
    %lt3A_53 = arith.constant 31 : i32
    %lt3A_54 = arith.cmpi slt, %add3A, %lt3A_53 : i32
    %convert_element_type3A_55 = arith.extui %lt3A_54 : i1 to i32
    %cond3A_56 = arith.constant 0 : i32
    %cond3A_57 = arith.cmpi ne, %convert_element_type3A_55, %cond3A_56 : i32
    scf.if %cond3A_57 {
      "tpu.region"() ({
        %run_scoped3A_88 = tpu.sem_alloc : memref<!tpu.dma_semaphore, #tpu.memory_space<semaphore_mem>>
        %dma_start3A_89 = arith.constant 0 : i32
        %dma_start3A_90 = arith.constant 0 : i32
        %dma_start3A_91 = tpu.memref_slice %arg11[%dma_start3A_89, %dma_start3A_90] : memref<2x10496xi32, #tpu.memory_space<vmem>> -> memref<2x9984xi32, #tpu.memory_space<vmem>>
        %dma_start3A_92 = arith.constant 0 : i32
        %dma_start3A_93 = tpu.memref_slice %arg7[%dma_start3A_92, %mul3A_4] : memref<2x320000xi32, #tpu.memory_space<hbm>> -> memref<2x9984xi32, #tpu.memory_space<hbm>>
        %dma_start3A_94 = arith.constant 0 : i32
        %dma_start3A_95 = tpu.memref_slice %arg7[%dma_start3A_94, %mul3A_4] : memref<2x320000xi32, #tpu.memory_space<hbm>> -> memref<2x9984xi32, #tpu.memory_space<hbm>>
        %dma_start3A_96 = arith.constant 0 : i32
        %dma_start3A_97 = arith.constant 0 : i32
        %dma_start3A_98 = tpu.memref_slice %arg11[%dma_start3A_96, %dma_start3A_97] : memref<2x10496xi32, #tpu.memory_space<vmem>> -> memref<2x9984xi32, #tpu.memory_space<vmem>>
        tpu.enqueue_dma source(%dma_start3A_98 : memref<2x9984xi32, #tpu.memory_space<vmem>>) target(%dma_start3A_95 : memref<2x9984xi32, #tpu.memory_space<hbm>>) target_semaphore(%run_scoped3A_88 : memref<!tpu.dma_semaphore, #tpu.memory_space<semaphore_mem>>)
        %dma_wait3A_99 = arith.constant 0 : i32
        %dma_wait3A_100 = arith.constant 0 : i32
        %dma_wait3A_101 = tpu.memref_slice %arg11[%dma_wait3A_99, %dma_wait3A_100] : memref<2x10496xi32, #tpu.memory_space<vmem>> -> memref<2x9984xi32, #tpu.memory_space<vmem>>
        %dma_wait3A_102 = arith.constant 0 : i32
        %dma_wait3A_103 = tpu.memref_slice %arg7[%dma_wait3A_102, %mul3A_4] : memref<2x320000xi32, #tpu.memory_space<hbm>> -> memref<2x9984xi32, #tpu.memory_space<hbm>>
        %dma_wait3A_104 = arith.constant 0 : i32
        %dma_wait3A_105 = tpu.memref_slice %arg7[%dma_wait3A_104, %mul3A_4] : memref<2x320000xi32, #tpu.memory_space<hbm>> -> memref<2x9984xi32, #tpu.memory_space<hbm>>
        %dma_wait3A_106 = arith.constant 0 : i32
        %dma_wait3A_107 = arith.constant 0 : i32
        %dma_wait3A_108 = tpu.memref_slice %arg11[%dma_wait3A_106, %dma_wait3A_107] : memref<2x10496xi32, #tpu.memory_space<vmem>> -> memref<2x9984xi32, #tpu.memory_space<vmem>>
        tpu.wait_dma2 semaphore(%run_scoped3A_88 : memref<!tpu.dma_semaphore, #tpu.memory_space<semaphore_mem>>) src(%dma_wait3A_108 : memref<2x9984xi32, #tpu.memory_space<vmem>>) dst(%dma_wait3A_105 : memref<2x9984xi32, #tpu.memory_space<hbm>>)
        tpu.yield
      }) : () -> ()
    } else {
    }
    %eq3A_58 = arith.constant 31 : i32
    %eq3A_59 = arith.cmpi eq, %add3A, %eq3A_58 : i32
    %convert_element_type3A_60 = arith.extui %eq3A_59 : i1 to i32
    %cond3A_61 = arith.constant 0 : i32
    %cond3A_62 = arith.cmpi ne, %convert_element_type3A_60, %cond3A_61 : i32
    scf.if %cond3A_62 {
      "tpu.region"() ({
        %run_scoped3A_88 = tpu.sem_alloc : memref<!tpu.dma_semaphore, #tpu.memory_space<semaphore_mem>>
        %dma_start3A_89 = arith.constant 0 : i32
        %dma_start3A_90 = arith.constant 309504 : i32
        %dma_start3A_91 = tpu.memref_slice %arg7[%dma_start3A_89, %dma_start3A_90] : memref<2x320000xi32, #tpu.memory_space<hbm>> -> memref<2x10496xi32, #tpu.memory_space<hbm>>
        %dma_start3A_92 = arith.constant 0 : i32
        %dma_start3A_93 = arith.constant 309504 : i32
        %dma_start3A_94 = tpu.memref_slice %arg7[%dma_start3A_92, %dma_start3A_93] : memref<2x320000xi32, #tpu.memory_space<hbm>> -> memref<2x10496xi32, #tpu.memory_space<hbm>>
        tpu.enqueue_dma source(%arg11 : memref<2x10496xi32, #tpu.memory_space<vmem>>) target(%dma_start3A_94 : memref<2x10496xi32, #tpu.memory_space<hbm>>) target_semaphore(%run_scoped3A_88 : memref<!tpu.dma_semaphore, #tpu.memory_space<semaphore_mem>>)
        %dma_wait3A_95 = arith.constant 0 : i32
        %dma_wait3A_96 = arith.constant 309504 : i32
        %dma_wait3A_97 = tpu.memref_slice %arg7[%dma_wait3A_95, %dma_wait3A_96] : memref<2x320000xi32, #tpu.memory_space<hbm>> -> memref<2x10496xi32, #tpu.memory_space<hbm>>
        %dma_wait3A_98 = arith.constant 0 : i32
        %dma_wait3A_99 = arith.constant 309504 : i32
        %dma_wait3A_100 = tpu.memref_slice %arg7[%dma_wait3A_98, %dma_wait3A_99] : memref<2x320000xi32, #tpu.memory_space<hbm>> -> memref<2x10496xi32, #tpu.memory_space<hbm>>
        tpu.wait_dma2 semaphore(%run_scoped3A_88 : memref<!tpu.dma_semaphore, #tpu.memory_space<semaphore_mem>>) src(%arg11 : memref<2x10496xi32, #tpu.memory_space<vmem>>) dst(%dma_wait3A_100 : memref<2x10496xi32, #tpu.memory_space<hbm>>)
        tpu.yield
      }) : () -> ()
    } else {
    }
    %dma_wait3A = arith.constant 0 : i32
    %dma_wait3A_63 = arith.constant 0 : i32
    %dma_wait3A_64 = tpu.memref_slice %arg10[%dma_wait3A, %dma_wait3A_63] : memref<160x128xf32, #tpu.memory_space<vmem>> -> memref<80x128xf32, #tpu.memory_space<vmem>>
    %dma_wait3A_65 = arith.constant 0 : i32
    %dma_wait3A_66 = tpu.memref_slice %arg9[%dma_wait3A_65] : memref<160xi32, #tpu.memory_space<vmem>> -> memref<80xi32, #tpu.memory_space<vmem>>
    %dma_wait3A_67 = arith.constant 0 : i32
    %dma_wait3A_68 = arith.constant 0 : i32
    %dma_wait3A_69 = tpu.memref_slice %arg4[%dma_wait3A_67, %dma_wait3A_68] : memref<10000x128xf32, #tpu.memory_space<hbm>> -> memref<10000x128xf32, #tpu.memory_space<hbm>>
    tpu.wait_indirect_dma semaphore(%arg13 : memref<!tpu.dma_semaphore, #tpu.memory_space<semaphore_mem>>) src(%dma_wait3A_69 : memref<10000x128xf32, #tpu.memory_space<hbm>>) dst(%dma_wait3A_64 : memref<80x128xf32, #tpu.memory_space<vmem>>)
    %dma_wait3A_70 = arith.constant 80 : i32
    %dma_wait3A_71 = arith.constant 0 : i32
    %dma_wait3A_72 = tpu.memref_slice %arg10[%dma_wait3A_70, %dma_wait3A_71] : memref<160x128xf32, #tpu.memory_space<vmem>> -> memref<80x128xf32, #tpu.memory_space<vmem>>
    %dma_wait3A_73 = arith.constant 80 : i32
    %dma_wait3A_74 = tpu.memref_slice %arg9[%dma_wait3A_73] : memref<160xi32, #tpu.memory_space<vmem>> -> memref<80xi32, #tpu.memory_space<vmem>>
    %dma_wait3A_75 = arith.constant 0 : i32
    %dma_wait3A_76 = arith.constant 0 : i32
    %dma_wait3A_77 = tpu.memref_slice %arg4[%dma_wait3A_75, %dma_wait3A_76] : memref<10000x128xf32, #tpu.memory_space<hbm>> -> memref<10000x128xf32, #tpu.memory_space<hbm>>
    tpu.wait_indirect_dma semaphore(%arg13 : memref<!tpu.dma_semaphore, #tpu.memory_space<semaphore_mem>>) src(%dma_wait3A_77 : memref<10000x128xf32, #tpu.memory_space<hbm>>) dst(%dma_wait3A_72 : memref<80x128xf32, #tpu.memory_space<vmem>>)
    %lt3A_78 = arith.constant 31 : i32
    %lt3A_79 = arith.cmpi slt, %add3A, %lt3A_78 : i32
    %convert_element_type3A_80 = arith.extui %lt3A_79 : i1 to i32
    %cond3A_81 = arith.constant 0 : i32
    %cond3A_82 = arith.cmpi ne, %convert_element_type3A_80, %cond3A_81 : i32
    scf.if %cond3A_82 {
      "tpu.region"() ({
        %run_scoped3A_88 = tpu.sem_alloc : memref<!tpu.dma_semaphore, #tpu.memory_space<semaphore_mem>>
        %dma_start3A_89 = tpu.memref_slice %arg5[%mul3A_2] : memref<5000xi32, #tpu.memory_space<hbm>> -> memref<160xi32, #tpu.memory_space<hbm>>
        %dma_start3A_90 = tpu.memref_slice %arg5[%mul3A_2] : memref<5000xi32, #tpu.memory_space<hbm>> -> memref<160xi32, #tpu.memory_space<hbm>>
        tpu.enqueue_dma source(%arg9 : memref<160xi32, #tpu.memory_space<vmem>>) target(%dma_start3A_90 : memref<160xi32, #tpu.memory_space<hbm>>) target_semaphore(%run_scoped3A_88 : memref<!tpu.dma_semaphore, #tpu.memory_space<semaphore_mem>>)
        %dma_wait3A_91 = tpu.memref_slice %arg5[%mul3A_2] : memref<5000xi32, #tpu.memory_space<hbm>> -> memref<160xi32, #tpu.memory_space<hbm>>
        %dma_wait3A_92 = tpu.memref_slice %arg5[%mul3A_2] : memref<5000xi32, #tpu.memory_space<hbm>> -> memref<160xi32, #tpu.memory_space<hbm>>
        tpu.wait_dma2 semaphore(%run_scoped3A_88 : memref<!tpu.dma_semaphore, #tpu.memory_space<semaphore_mem>>) src(%arg9 : memref<160xi32, #tpu.memory_space<vmem>>) dst(%dma_wait3A_92 : memref<160xi32, #tpu.memory_space<hbm>>)
        tpu.yield
      }) : () -> ()
      "tpu.region"() ({
        %run_scoped3A_88 = tpu.sem_alloc : memref<!tpu.dma_semaphore, #tpu.memory_space<semaphore_mem>>
        %dma_start3A_89 = arith.constant 0 : i32
        %dma_start3A_90 = tpu.memref_slice %arg6[%mul3A_2, %dma_start3A_89] : memref<5000x128xf32, #tpu.memory_space<hbm>> -> memref<160x128xf32, #tpu.memory_space<hbm>>
        %dma_start3A_91 = arith.constant 0 : i32
        %dma_start3A_92 = tpu.memref_slice %arg6[%mul3A_2, %dma_start3A_91] : memref<5000x128xf32, #tpu.memory_space<hbm>> -> memref<160x128xf32, #tpu.memory_space<hbm>>
        tpu.enqueue_dma source(%arg10 : memref<160x128xf32, #tpu.memory_space<vmem>>) target(%dma_start3A_92 : memref<160x128xf32, #tpu.memory_space<hbm>>) target_semaphore(%run_scoped3A_88 : memref<!tpu.dma_semaphore, #tpu.memory_space<semaphore_mem>>)
        %dma_wait3A_93 = arith.constant 0 : i32
        %dma_wait3A_94 = tpu.memref_slice %arg6[%mul3A_2, %dma_wait3A_93] : memref<5000x128xf32, #tpu.memory_space<hbm>> -> memref<160x128xf32, #tpu.memory_space<hbm>>
        %dma_wait3A_95 = arith.constant 0 : i32
        %dma_wait3A_96 = tpu.memref_slice %arg6[%mul3A_2, %dma_wait3A_95] : memref<5000x128xf32, #tpu.memory_space<hbm>> -> memref<160x128xf32, #tpu.memory_space<hbm>>
        tpu.wait_dma2 semaphore(%run_scoped3A_88 : memref<!tpu.dma_semaphore, #tpu.memory_space<semaphore_mem>>) src(%arg10 : memref<160x128xf32, #tpu.memory_space<vmem>>) dst(%dma_wait3A_96 : memref<160x128xf32, #tpu.memory_space<hbm>>)
        tpu.yield
      }) : () -> ()
    } else {
    }
    %eq3A_83 = arith.constant 31 : i32
    %eq3A_84 = arith.cmpi eq, %add3A, %eq3A_83 : i32
    %convert_element_type3A_85 = arith.extui %eq3A_84 : i1 to i32
    %cond3A_86 = arith.constant 0 : i32
    %cond3A_87 = arith.cmpi ne, %convert_element_type3A_85, %cond3A_86 : i32
    scf.if %cond3A_87 {
      "tpu.region"() ({
        %run_scoped3A_88 = tpu.sem_alloc : memref<!tpu.dma_semaphore, #tpu.memory_space<semaphore_mem>>
        %dma_start3A_89 = arith.constant 0 : i32
        %dma_start3A_90 = tpu.memref_slice %arg9[%dma_start3A_89] : memref<160xi32, #tpu.memory_space<vmem>> -> memref<40xi32, #tpu.memory_space<vmem>>
        %dma_start3A_91 = arith.constant 4960 : i32
        %dma_start3A_92 = tpu.memref_slice %arg5[%dma_start3A_91] : memref<5000xi32, #tpu.memory_space<hbm>> -> memref<40xi32, #tpu.memory_space<hbm>>
        %dma_start3A_93 = arith.constant 4960 : i32
        %dma_start3A_94 = tpu.memref_slice %arg5[%dma_start3A_93] : memref<5000xi32, #tpu.memory_space<hbm>> -> memref<40xi32, #tpu.memory_space<hbm>>
        %dma_start3A_95 = arith.constant 0 : i32
        %dma_start3A_96 = tpu.memref_slice %arg9[%dma_start3A_95] : memref<160xi32, #tpu.memory_space<vmem>> -> memref<40xi32, #tpu.memory_space<vmem>>
        tpu.enqueue_dma source(%dma_start3A_96 : memref<40xi32, #tpu.memory_space<vmem>>) target(%dma_start3A_94 : memref<40xi32, #tpu.memory_space<hbm>>) target_semaphore(%run_scoped3A_88 : memref<!tpu.dma_semaphore, #tpu.memory_space<semaphore_mem>>)
        %dma_wait3A_97 = arith.constant 0 : i32
        %dma_wait3A_98 = tpu.memref_slice %arg9[%dma_wait3A_97] : memref<160xi32, #tpu.memory_space<vmem>> -> memref<40xi32, #tpu.memory_space<vmem>>
        %dma_wait3A_99 = arith.constant 4960 : i32
        %dma_wait3A_100 = tpu.memref_slice %arg5[%dma_wait3A_99] : memref<5000xi32, #tpu.memory_space<hbm>> -> memref<40xi32, #tpu.memory_space<hbm>>
        %dma_wait3A_101 = arith.constant 4960 : i32
        %dma_wait3A_102 = tpu.memref_slice %arg5[%dma_wait3A_101] : memref<5000xi32, #tpu.memory_space<hbm>> -> memref<40xi32, #tpu.memory_space<hbm>>
        %dma_wait3A_103 = arith.constant 0 : i32
        %dma_wait3A_104 = tpu.memref_slice %arg9[%dma_wait3A_103] : memref<160xi32, #tpu.memory_space<vmem>> -> memref<40xi32, #tpu.memory_space<vmem>>
        tpu.wait_dma2 semaphore(%run_scoped3A_88 : memref<!tpu.dma_semaphore, #tpu.memory_space<semaphore_mem>>) src(%dma_wait3A_104 : memref<40xi32, #tpu.memory_space<vmem>>) dst(%dma_wait3A_102 : memref<40xi32, #tpu.memory_space<hbm>>)
        tpu.yield
      }) : () -> ()
      "tpu.region"() ({
        %run_scoped3A_88 = tpu.sem_alloc : memref<!tpu.dma_semaphore, #tpu.memory_space<semaphore_mem>>
        %dma_start3A_89 = arith.constant 0 : i32
        %dma_start3A_90 = arith.constant 0 : i32
        %dma_start3A_91 = tpu.memref_slice %arg10[%dma_start3A_89, %dma_start3A_90] : memref<160x128xf32, #tpu.memory_space<vmem>> -> memref<40x128xf32, #tpu.memory_space<vmem>>
        %dma_start3A_92 = arith.constant 4960 : i32
        %dma_start3A_93 = arith.constant 0 : i32
        %dma_start3A_94 = tpu.memref_slice %arg6[%dma_start3A_92, %dma_start3A_93] : memref<5000x128xf32, #tpu.memory_space<hbm>> -> memref<40x128xf32, #tpu.memory_space<hbm>>
        %dma_start3A_95 = arith.constant 4960 : i32
        %dma_start3A_96 = arith.constant 0 : i32
        %dma_start3A_97 = tpu.memref_slice %arg6[%dma_start3A_95, %dma_start3A_96] : memref<5000x128xf32, #tpu.memory_space<hbm>> -> memref<40x128xf32, #tpu.memory_space<hbm>>
        %dma_start3A_98 = arith.constant 0 : i32
        %dma_start3A_99 = arith.constant 0 : i32
        %dma_start3A_100 = tpu.memref_slice %arg10[%dma_start3A_98, %dma_start3A_99] : memref<160x128xf32, #tpu.memory_space<vmem>> -> memref<40x128xf32, #tpu.memory_space<vmem>>
        tpu.enqueue_dma source(%dma_start3A_100 : memref<40x128xf32, #tpu.memory_space<vmem>>) target(%dma_start3A_97 : memref<40x128xf32, #tpu.memory_space<hbm>>) target_semaphore(%run_scoped3A_88 : memref<!tpu.dma_semaphore, #tpu.memory_space<semaphore_mem>>)
        %dma_wait3A_101 = arith.constant 0 : i32
        %dma_wait3A_102 = arith.constant 0 : i32
        %dma_wait3A_103 = tpu.memref_slice %arg10[%dma_wait3A_101, %dma_wait3A_102] : memref<160x128xf32, #tpu.memory_space<vmem>> -> memref<40x128xf32, #tpu.memory_space<vmem>>
        %dma_wait3A_104 = arith.constant 4960 : i32
        %dma_wait3A_105 = arith.constant 0 : i32
        %dma_wait3A_106 = tpu.memref_slice %arg6[%dma_wait3A_104, %dma_wait3A_105] : memref<5000x128xf32, #tpu.memory_space<hbm>> -> memref<40x128xf32, #tpu.memory_space<hbm>>
        %dma_wait3A_107 = arith.constant 4960 : i32
        %dma_wait3A_108 = arith.constant 0 : i32
        %dma_wait3A_109 = tpu.memref_slice %arg6[%dma_wait3A_107, %dma_wait3A_108] : memref<5000x128xf32, #tpu.memory_space<hbm>> -> memref<40x128xf32, #tpu.memory_space<hbm>>
        %dma_wait3A_110 = arith.constant 0 : i32
        %dma_wait3A_111 = arith.constant 0 : i32
        %dma_wait3A_112 = tpu.memref_slice %arg10[%dma_wait3A_110, %dma_wait3A_111] : memref<160x128xf32, #tpu.memory_space<vmem>> -> memref<40x128xf32, #tpu.memory_space<vmem>>
        tpu.wait_dma2 semaphore(%run_scoped3A_88 : memref<!tpu.dma_semaphore, #tpu.memory_space<semaphore_mem>>) src(%dma_wait3A_112 : memref<40x128xf32, #tpu.memory_space<vmem>>) dst(%dma_wait3A_109 : memref<40x128xf32, #tpu.memory_space<hbm>>)
        tpu.yield
      }) : () -> ()
    } else {
    }
    return
  }
}

module attributes {stable_mosaic.version = 14 : i64} {
  func.func @_rank_body(%arg0: i32, %arg1: i32, %arg2: memref<2560x128xf32, #tpu.memory_space<vmem>>, %arg3: memref<128x1xf32, #tpu.memory_space<vmem>>, %arg4: memref<1x1xf32, #tpu.memory_space<vmem>>, %arg5: memref<1x10240xi32, #tpu.memory_space<vmem>>, %arg6: memref<10240x1xf32, #tpu.memory_space<vmem>>, %arg7: memref<1x10240xf32, #tpu.memory_space<vmem>>, %arg8: memref<2560x1xf32, #tpu.memory_space<vmem>>, %arg9: memref<1x10240xf32, #tpu.memory_space<vmem>>, %arg10: memref<1x10240xf32, #tpu.memory_space<vmem>>) attributes {dimension_semantics = [#tpu.dimension_semantics<arbitrary>, #tpu.dimension_semantics<arbitrary>], iteration_bounds = array<i64: 4, 4>, scalar_prefetch = 0 : i64, scratch_operands = 5 : i64, tpu.core_type = #tpu.core_type<tc>, window_params = [{transform_indices = @transform_0, window_bounds = array<i64: 2560, 128>}, {pipeline_mode = #tpu.pipeline_mode<synchronous>, transform_indices = @transform_1, window_bounds = array<i64: 128, 1>}, {pipeline_mode = #tpu.pipeline_mode<synchronous>, transform_indices = @transform_2, window_bounds = array<i64: 1, 1>}, {pipeline_mode = #tpu.pipeline_mode<synchronous>, transform_indices = @transform_3, window_bounds = array<i64: 1, 10240>}]} {
    %eq3A = arith.constant 0 : i32
    %eq3A_0 = arith.cmpi eq, %arg0, %eq3A : i32
    %convert_element_type3A = arith.extui %eq3A_0 : i1 to i32
    %cond3A = arith.constant 0 : i32
    %cond3A_1 = arith.cmpi ne, %convert_element_type3A, %cond3A : i32
    scf.if %cond3A_1 {
      %get3A_38 = arith.constant 0 : index
      %get3A_39 = arith.constant 0 : index
      %get3A_40 = vector.load %arg2[%get3A_38, %get3A_39] : memref<2560x128xf32, #tpu.memory_space<vmem>>, vector<2560x128xf32>
      %get3A_41 = arith.constant 0 : index
      %get3A_42 = arith.constant 0 : index
      %get3A_43 = vector.load %arg3[%get3A_41, %get3A_42] : memref<128x1xf32, #tpu.memory_space<vmem>>, vector<128x1xf32>
      %dot_general3A = arith.constant dense<0.000000e+00> : vector<2560x1xf32>
      %dot_general3A_44 = tpu.matmul %get3A_40, %get3A_43, %dot_general3A {dimension_numbers = #tpu.dot_dimension_numbers<[1], [0], [0], [1], [0, 0, 1, 1], [], []>, transpose_lhs_hint = false} : vector<2560x128xf32>, vector<128x1xf32>, vector<2560x1xf32> -> vector<2560x1xf32>
      %get3A_45 = arith.constant 0 : index
      %get3A_46 = arith.constant 0 : index
      %get3A_47 = vector.load %arg4[%get3A_45, %get3A_46] : memref<1x1xf32, #tpu.memory_space<vmem>>, vector<1x1xf32>
      %get3A_48 = vector.extract %get3A_47[0, 0] : f32 from vector<1x1xf32>
      %add3A = vector.broadcast %get3A_48 : f32 to vector<2560x1xf32>
      %add3A_49 = arith.addf %dot_general3A_44, %add3A : vector<2560x1xf32>
      %mul3A_50 = arith.constant 2560 : i32
      %mul3A_51 = arith.muli %arg1, %mul3A_50 : i32
      %iota3A = tpu.iota {dimensions = array<i32: 0>} : vector<2560x1xi32>
      %add3A_52 = vector.broadcast %mul3A_51 : i32 to vector<2560x1xi32>
      %add3A_53 = arith.addi %add3A_52, %iota3A : vector<2560x1xi32>
      %lt3A_54 = arith.constant 10000 : i32
      %lt3A_55 = vector.broadcast %lt3A_54 : i32 to vector<2560x1xi32>
      %lt3A_56 = arith.cmpi slt, %add3A_53, %lt3A_55 : vector<2560x1xi32>
      %jit3A = arith.constant 0xFF800000 : f32
      %broadcast_in_dim3A_57 = vector.broadcast %jit3A : f32 to vector<2560x1xf32>
      %select_n3A = arith.select %lt3A_56, %add3A_49, %broadcast_in_dim3A_57 : vector<2560x1xi1>, vector<2560x1xf32>
      %mul3A_58 = arith.constant 2560 : i32
      %mul3A_59 = arith.muli %arg1, %mul3A_58 : i32
      %swap3A = arith.index_cast %mul3A_59 : i32 to index
      %swap3A_60 = arith.constant 0 : index
      %swap3A_61 = vector.load %arg6[%swap3A, %swap3A_60] : memref<10240x1xf32, #tpu.memory_space<vmem>>, vector<2560x1xf32>
      tpu.vector_store %arg6[%swap3A, %swap3A_60], %select_n3A {strides = array<i32>} : memref<10240x1xf32, #tpu.memory_space<vmem>>, vector<2560x1xf32>,
      %transpose3A = tpu.transpose %select_n3A, [1, 0] : vector<2560x1xf32> -> vector<1x2560xf32>
      %mul3A_62 = arith.constant 2560 : i32
      %mul3A_63 = arith.muli %arg1, %mul3A_62 : i32
      %swap3A_64 = arith.constant 0 : index
      %swap3A_65 = arith.index_cast %mul3A_63 : i32 to index
      %swap3A_66 = vector.load %arg7[%swap3A_64, %swap3A_65] : memref<1x10240xf32, #tpu.memory_space<vmem>>, vector<1x2560xf32>
      tpu.vector_store %arg7[%swap3A_64, %swap3A_65], %transpose3A {strides = array<i32>} : memref<1x10240xf32, #tpu.memory_space<vmem>>, vector<1x2560xf32>,
    } else {
    }
    %mul3A = arith.constant 2560 : i32
    %mul3A_2 = arith.muli %arg0, %mul3A : i32
    %get3A = arith.index_cast %mul3A_2 : i32 to index
    %get3A_3 = arith.constant 0 : index
    %get3A_4 = vector.load %arg6[%get3A, %get3A_3] : memref<10240x1xf32, #tpu.memory_space<vmem>>, vector<2560x1xf32>
    %mul3A_5 = arith.constant 2560 : i32
    %mul3A_6 = arith.muli %arg1, %mul3A_5 : i32
    %get3A_7 = arith.constant 0 : index
    %get3A_8 = arith.index_cast %mul3A_6 : i32 to index
    %get3A_9 = vector.load %arg7[%get3A_7, %get3A_8] : memref<1x10240xf32, #tpu.memory_space<vmem>>, vector<1x2560xf32>
    %broadcast_in_dim3A = arith.constant 1.000000e+00 : bf16
    %broadcast_in_dim3A_10 = vector.broadcast %broadcast_in_dim3A : bf16 to vector<2560x1xbf16>
    %eq3A_11 = arith.constant 0 : i32
    %eq3A_12 = arith.cmpi eq, %arg1, %eq3A_11 : i32
    %convert_element_type3A_13 = arith.extui %eq3A_12 : i1 to i32
    %cond3A_14 = arith.constant 0 : i32
    %cond3A_15 = arith.cmpi ne, %convert_element_type3A_13, %cond3A_14 : i32
    scf.if %cond3A_15 {
      %broadcast_in_dim3A_38 = arith.constant 0.000000e+00 : f32
      %broadcast_in_dim3A_39 = vector.broadcast %broadcast_in_dim3A_38 : f32 to vector<2560x1xf32>
      %swap3A = arith.constant 0 : index
      %swap3A_40 = arith.constant 0 : index
      %swap3A_41 = vector.load %arg8[%swap3A, %swap3A_40] : memref<2560x1xf32, #tpu.memory_space<vmem>>, vector<2560x1xf32>
      tpu.vector_store %arg8[%swap3A, %swap3A_40], %broadcast_in_dim3A_39 {strides = array<i32>} : memref<2560x1xf32, #tpu.memory_space<vmem>>, vector<2560x1xf32>,
    } else {
    }
    %eq3A_16 = arith.constant 0 : i32
    %eq3A_17 = arith.cmpi eq, %arg0, %eq3A_16 : i32
    %eq3A_18 = arith.constant 0 : i32
    %eq3A_19 = arith.cmpi eq, %arg1, %eq3A_18 : i32
    %and3A = arith.andi %eq3A_17, %eq3A_19 : i1
    %convert_element_type3A_20 = arith.extui %and3A : i1 to i32
    %cond3A_21 = arith.constant 0 : i32
    %cond3A_22 = arith.cmpi ne, %convert_element_type3A_20, %cond3A_21 : i32
    scf.if %cond3A_22 {
      %broadcast_in_dim3A_38 = arith.constant 0.000000e+00 : f32
      %broadcast_in_dim3A_39 = vector.broadcast %broadcast_in_dim3A_38 : f32 to vector<1x10240xf32>
      %swap3A = arith.constant 0 : index
      %swap3A_40 = arith.constant 0 : index
      %swap3A_41 = vector.load %arg10[%swap3A, %swap3A_40] : memref<1x10240xf32, #tpu.memory_space<vmem>>, vector<1x10240xf32>
      tpu.vector_store %arg10[%swap3A, %swap3A_40], %broadcast_in_dim3A_39 {strides = array<i32>} : memref<1x10240xf32, #tpu.memory_space<vmem>>, vector<1x10240xf32>,
    } else {
    }
    %lt3A = arith.cmpi slt, %arg1, %arg0 : i32
    %convert_element_type3A_23 = arith.extui %lt3A : i1 to i32
    %cond3A_24 = arith.constant 0 : i32
    %cond3A_25 = arith.cmpi ne, %convert_element_type3A_23, %cond3A_24 : i32
    scf.if %cond3A_25 {
      %ge3A = vector.broadcast %get3A_9 : vector<1x2560xf32> to vector<2560x2560xf32>
      %ge3A_38 = vector.broadcast %get3A_4 : vector<2560x1xf32> to vector<2560x2560xf32>
      %ge3A_39 = arith.cmpf oge, %ge3A, %ge3A_38 : vector<2560x2560xf32>
      %jit3A = arith.constant 1.000000e+00 : f32
      %jit3A_40 = arith.constant 0.000000e+00 : f32
      %broadcast_in_dim3A_41 = vector.broadcast %jit3A : f32 to vector<2560x2560xf32>
      %broadcast_in_dim3A_42 = vector.broadcast %jit3A_40 : f32 to vector<2560x2560xf32>
      %select_n3A = arith.select %ge3A_39, %broadcast_in_dim3A_41, %broadcast_in_dim3A_42 : vector<2560x2560xi1>, vector<2560x2560xf32>
      %get3A_43 = arith.constant 0 : index
      %get3A_44 = arith.constant 0 : index
      %get3A_45 = vector.load %arg8[%get3A_43, %get3A_44] : memref<2560x1xf32, #tpu.memory_space<vmem>>, vector<2560x1xf32>
      %convert_element_type3A_46 = arith.truncf %select_n3A : vector<2560x2560xf32> to vector<2560x2560xbf16>
      %dot_general3A = arith.constant dense<0.000000e+00> : vector<2560x1xf32>
      %dot_general3A_47 = tpu.matmul %convert_element_type3A_46, %broadcast_in_dim3A_10, %dot_general3A {dimension_numbers = #tpu.dot_dimension_numbers<[1], [0], [0], [1], [0, 0, 1, 1], [], []>, transpose_lhs_hint = false} : vector<2560x2560xbf16>, vector<2560x1xbf16>, vector<2560x1xf32> -> vector<2560x1xf32>
      %add3A = arith.addf %get3A_45, %dot_general3A_47 : vector<2560x1xf32>
      %swap3A = arith.constant 0 : index
      %swap3A_48 = arith.constant 0 : index
      %swap3A_49 = vector.load %arg8[%swap3A, %swap3A_48] : memref<2560x1xf32, #tpu.memory_space<vmem>>, vector<2560x1xf32>
      tpu.vector_store %arg8[%swap3A, %swap3A_48], %add3A {strides = array<i32>} : memref<2560x1xf32, #tpu.memory_space<vmem>>, vector<2560x1xf32>,
      %mul3A_50 = arith.constant 2560 : i32
      %mul3A_51 = arith.muli %arg1, %mul3A_50 : i32
      %get3A_52 = arith.constant 0 : index
      %get3A_53 = arith.index_cast %mul3A_51 : i32 to index
      %get3A_54 = vector.load %arg10[%get3A_52, %get3A_53] : memref<1x10240xf32, #tpu.memory_space<vmem>>, vector<1x2560xf32>
      %reduce_sum3A = arith.constant dense<0.000000e+00> : vector<2560xf32>
      %reduce_sum3A_55 = vector.multi_reduction <add>, %select_n3A, %reduce_sum3A [0] : vector<2560x2560xf32> to vector<2560xf32>
      %broadcast_in_dim3A_56 = vector.shape_cast %reduce_sum3A_55 : vector<2560xf32> to vector<1x2560xf32>
      %sub3A = arith.constant 2.560000e+03 : f32
      %sub3A_57 = vector.broadcast %sub3A : f32 to vector<1x2560xf32>
      %sub3A_58 = arith.subf %sub3A_57, %broadcast_in_dim3A_56 : vector<1x2560xf32>
      %add3A_59 = arith.addf %get3A_54, %sub3A_58 : vector<1x2560xf32>
      %swap3A_60 = arith.constant 0 : index
      %swap3A_61 = arith.index_cast %mul3A_51 : i32 to index
      %swap3A_62 = vector.load %arg10[%swap3A_60, %swap3A_61] : memref<1x10240xf32, #tpu.memory_space<vmem>>, vector<1x2560xf32>
      tpu.vector_store %arg10[%swap3A_60, %swap3A_61], %add3A_59 {strides = array<i32>} : memref<1x10240xf32, #tpu.memory_space<vmem>>, vector<1x2560xf32>,
    } else {
    }
    %eq3A_26 = arith.cmpi eq, %arg1, %arg0 : i32
    %convert_element_type3A_27 = arith.extui %eq3A_26 : i1 to i32
    %cond3A_28 = arith.constant 0 : i32
    %cond3A_29 = arith.cmpi ne, %convert_element_type3A_27, %cond3A_28 : i32
    scf.if %cond3A_29 {
      %iota3A = tpu.iota {dimensions = array<i32: 0>} : vector<2560x1xi32>
      %iota3A_38 = tpu.iota {dimensions = array<i32: 1>} : vector<1x2560xi32>
      %gt3A = vector.broadcast %get3A_9 : vector<1x2560xf32> to vector<2560x2560xf32>
      %gt3A_39 = vector.broadcast %get3A_4 : vector<2560x1xf32> to vector<2560x2560xf32>
      %gt3A_40 = arith.cmpf ogt, %gt3A, %gt3A_39 : vector<2560x2560xf32>
      %eq3A_41 = vector.broadcast %get3A_9 : vector<1x2560xf32> to vector<2560x2560xf32>
      %eq3A_42 = vector.broadcast %get3A_4 : vector<2560x1xf32> to vector<2560x2560xf32>
      %eq3A_43 = arith.cmpf oeq, %eq3A_41, %eq3A_42 : vector<2560x2560xf32>
      %lt3A_44 = vector.broadcast %iota3A_38 : vector<1x2560xi32> to vector<2560x2560xi32>
      %lt3A_45 = vector.broadcast %iota3A : vector<2560x1xi32> to vector<2560x2560xi32>
      %lt3A_46 = arith.cmpi slt, %lt3A_44, %lt3A_45 : vector<2560x2560xi32>
      %and3A_47 = arith.andi %eq3A_43, %lt3A_46 : vector<2560x2560xi1>
      %or3A = arith.ori %gt3A_40, %and3A_47 : vector<2560x2560xi1>
      %get3A_48 = arith.constant 0 : index
      %get3A_49 = arith.constant 0 : index
      %get3A_50 = vector.load %arg8[%get3A_48, %get3A_49] : memref<2560x1xf32, #tpu.memory_space<vmem>>, vector<2560x1xf32>
      %jit3A = arith.constant 1.000000e+00 : f32
      %jit3A_51 = arith.constant 0.000000e+00 : f32
      %broadcast_in_dim3A_52 = vector.broadcast %jit3A : f32 to vector<2560x2560xf32>
      %broadcast_in_dim3A_53 = vector.broadcast %jit3A_51 : f32 to vector<2560x2560xf32>
      %select_n3A = arith.select %or3A, %broadcast_in_dim3A_52, %broadcast_in_dim3A_53 : vector<2560x2560xi1>, vector<2560x2560xf32>
      %convert_element_type3A_54 = arith.truncf %select_n3A : vector<2560x2560xf32> to vector<2560x2560xbf16>
      %dot_general3A = arith.constant dense<0.000000e+00> : vector<2560x1xf32>
      %dot_general3A_55 = tpu.matmul %convert_element_type3A_54, %broadcast_in_dim3A_10, %dot_general3A {dimension_numbers = #tpu.dot_dimension_numbers<[1], [0], [0], [1], [0, 0, 1, 1], [], []>, transpose_lhs_hint = false} : vector<2560x2560xbf16>, vector<2560x1xbf16>, vector<2560x1xf32> -> vector<2560x1xf32>
      %add3A = arith.addf %get3A_50, %dot_general3A_55 : vector<2560x1xf32>
      %swap3A = arith.constant 0 : index
      %swap3A_56 = arith.constant 0 : index
      %swap3A_57 = vector.load %arg8[%swap3A, %swap3A_56] : memref<2560x1xf32, #tpu.memory_space<vmem>>, vector<2560x1xf32>
      tpu.vector_store %arg8[%swap3A, %swap3A_56], %add3A {strides = array<i32>} : memref<2560x1xf32, #tpu.memory_space<vmem>>, vector<2560x1xf32>,
      %get3A_58 = arith.constant 0 : index
      %get3A_59 = arith.constant 0 : index
      %get3A_60 = vector.load %arg8[%get3A_58, %get3A_59] : memref<2560x1xf32, #tpu.memory_space<vmem>>, vector<2560x1xf32>
      %transpose3A = tpu.transpose %get3A_60, [1, 0] : vector<2560x1xf32> -> vector<1x2560xf32>
      %mul3A_61 = arith.constant 2560 : i32
      %mul3A_62 = arith.muli %arg0, %mul3A_61 : i32
      %swap3A_63 = arith.constant 0 : index
      %swap3A_64 = arith.index_cast %mul3A_62 : i32 to index
      %swap3A_65 = vector.load %arg9[%swap3A_63, %swap3A_64] : memref<1x10240xf32, #tpu.memory_space<vmem>>, vector<1x2560xf32>
      tpu.vector_store %arg9[%swap3A_63, %swap3A_64], %transpose3A {strides = array<i32>} : memref<1x10240xf32, #tpu.memory_space<vmem>>, vector<1x2560xf32>,
    } else {
    }
    %eq3A_30 = arith.constant 3 : i32
    %eq3A_31 = arith.cmpi eq, %arg0, %eq3A_30 : i32
    %eq3A_32 = arith.constant 3 : i32
    %eq3A_33 = arith.cmpi eq, %arg1, %eq3A_32 : i32
    %and3A_34 = arith.andi %eq3A_31, %eq3A_33 : i1
    %convert_element_type3A_35 = arith.extui %and3A_34 : i1 to i32
    %cond3A_36 = arith.constant 0 : i32
    %cond3A_37 = arith.cmpi ne, %convert_element_type3A_35, %cond3A_36 : i32
    scf.if %cond3A_37 {
      %get3A_38 = arith.constant 0 : index
      %get3A_39 = arith.constant 0 : index
      %get3A_40 = vector.load %arg9[%get3A_38, %get3A_39] : memref<1x10240xf32, #tpu.memory_space<vmem>>, vector<1x10240xf32>
      %get3A_41 = arith.constant 0 : index
      %get3A_42 = arith.constant 0 : index
      %get3A_43 = vector.load %arg10[%get3A_41, %get3A_42] : memref<1x10240xf32, #tpu.memory_space<vmem>>, vector<1x10240xf32>
      %add3A = arith.addf %get3A_40, %get3A_43 : vector<1x10240xf32>
      %convert_element_type3A_44 = arith.fptosi %add3A : vector<1x10240xf32> to vector<1x10240xi32>
      %swap3A = arith.constant 0 : index
      %swap3A_45 = arith.constant 0 : index
      %swap3A_46 = vector.load %arg5[%swap3A, %swap3A_45] : memref<1x10240xi32, #tpu.memory_space<vmem>>, vector<1x10240xi32>
      tpu.vector_store %arg5[%swap3A, %swap3A_45], %convert_element_type3A_44 {strides = array<i32>} : memref<1x10240xi32, #tpu.memory_space<vmem>>, vector<1x10240xi32>,
    } else {
    }
    return
  }
  func.func @transform_0(%arg0: i32, %arg1: i32) -> (i32, i32) {
    %eq3A = arith.constant 0 : i32
    %eq3A_0 = arith.cmpi eq, %arg0, %eq3A : i32
    %jit3A = arith.constant 0 : i32
    %select_n3A = arith.select %eq3A_0, %arg1, %jit3A : i32
    %c0_i32 = arith.constant 0 : i32
    %c0_i32_1 = arith.constant 0 : i32
    return %select_n3A, %c0_i32 : i32, i32
  }
  func.func @transform_1(%arg0: i32, %arg1: i32) -> (i32, i32) {
    %c0_i32 = arith.constant 0 : i32
    %c0_i32_0 = arith.constant 0 : i32
    %c0_i32_1 = arith.constant 0 : i32
    return %c0_i32, %c0_i32_0 : i32, i32
  }
  func.func @transform_2(%arg0: i32, %arg1: i32) -> (i32, i32) {
    %c0_i32 = arith.constant 0 : i32
    %c0_i32_0 = arith.constant 0 : i32
    %c0_i32_1 = arith.constant 0 : i32
    return %c0_i32, %c0_i32_0 : i32, i32
  }
  func.func @transform_3(%arg0: i32, %arg1: i32) -> (i32, i32) {
    %c0_i32 = arith.constant 0 : i32
    %c0_i32_0 = arith.constant 0 : i32
    %c0_i32_1 = arith.constant 0 : i32
    return %c0_i32, %c0_i32_0 : i32, i32
  }
}

</mosaic_0001>

<sc_bundles>
// kernel: kernel.4.cloned.1.call-start
scs
__scs_entry_jumppad:
0x0: {  	(pc) =	sbr.rel $0x88, $3  }
0x1: {  	(tag) =	ssettag $0x0;
	lr =	simm.s32 $0x1  }
0x2: {  	[smem:$0x3F9D] =	sst lr;
	_ =	strace $0xD0000000  }
0x3: {  	_ = 	snop  }
0x4: {  	_ = 	snop  }
0x5: {  	_ = 	snop  }
0x6: {  	_ = 	snop  }
0x7: {  	_ = 	snop  }
__scs_overlays_trampoline_lowered:
0x8: {  	[smem:$0x3FAC] =	sst s0  }
0x9: {  	[smem:$0x3FAD] =	sst s1  }
0xa: {  	[smem:$0x3FAE] =	sst s2  }
0xb: {  	[smem:$0x3FAF] =	sst s3  }
0xc: {  	[smem:$0x3FB0] =	sst s4  }
0xd: {  	[smem:$0x3FB1] =	sst s5  }
0xe: {  	[smem:$0x3FB2] =	sst s6  }
0xf: {  	[smem:$0x3FB3] =	sst s7  }
0x10: {  	[smem:$0x3FB4] =	sst s8  }
0x11: {  	[smem:$0x3FB5] =	sst s9;
	s0 =	simm.s32 @!p0 $0x0  }
0x12: {  	s1 =	sld [smem:$0x3F9B];
	s0 =	simm.s32 @p0 $0x1  }
0x13: {  	[smem:$0x3FB6] =	sst s0;
	s0 =	simm.s32 @!p1 $0x0  }
0x14: {  	s2 =	sld [smem:$0x3F9A];
	s0 =	simm.s32 @p1 $0x1  }
0x15: {  	[smem:$0x3FB7] =	sst s0;
	s0 =	simm.s32 @!p2 $0x0  }
0x16: {  	s3 =	sld [smem:$0x3FDB];
	s0 =	simm.s32 @p2 $0x1  }
0x17: {  	s4 =	simm.s32 $0x1BF5;
	[smem:$0x3FB9] =	sst s0  }
0x18: {  	s0 =	sld [smem:$0x3F9C];
	_ =	swait.ge [sflag:s4], $0x0  }
0x19: {  	s7 =	sld [smem:$0x3F9D]  }
0x1a: {  	s8 =	sadd.s32 $0xFFFFE003, lr  }
0x1b: {  	s9 =	sadd.s32 $0xFFFFFEF7, lr;
	s5 =	simm.s32 $0xFFFFFFFF;
	p2 =	slt.u32 s8, $0xFFFFF086  }
0x1c: {  	p1 =	slt.u32 s9, $0xF7A;
	s5 =	simm.s32 @!p2 $0x0  }
0x1d: {  	s5 =	simm.s32 @p1 $0x1;
	p0 =	seq.s32 s7, s2  }
0x1e: {  	s7 =	smul.u32 @!p0 $0xF7A, s2;
	p2 =	seq.s32 @!p0 s5, $0x0  }
0x1f: {  	s9 =	smul.u32 $0xF7A, s1;
	s8 =	simm.s32 @!p0 $0x1BF5;
	p2 =	por !p2, p0  }
0x20: {  	[sflag:s8] =	ssyncset.s32 @!p0 $0xFFFFF086;
	s6 =	sadd.s32 @!p0 s3, s7;
	s7 =	simm.s32 @!p0 $0x108  }
0x21: {  	s3 =	sadd.s32 s3, s9;
	s6 =	sadd.s32 @!p0 $0x88, s6;
	s7 =	simm.s32 @p2 $0x1082  }
0x22: {  	[simem:s7], [sflag:s8] =	dma.local @!p0 [hbm:s6], $0xF7A  }
0x23: {  	s9 =	sor.u32 $0xD0000000, s2;
	s6 =	simm.s32 $0x108;
	_ =	swait.ge @!p0 [sflag:s8], $0x0  }
0x24: {  	s3 =	sadd.s32 $0x88, s3;
	s6 =	simm.s32 @!p1 $0x1082;
	[sflag:s4] =	ssyncset.s32 $0xFFFFF086  }
0x25: {  	[simem:s6], [sflag:s4] =	dma.local [hbm:s3], $0xF7A  }
0x26: {  	[smem:$0x3F9D] =	sst s1;
	(tag) =	ssettag s2;
	_ =	strace s9  }
0x27: {  	s1 =	sld [smem:$0x3FAD]  }
0x28: {  	s2 =	sld [smem:$0x3FAE]  }
0x29: {  	s4 =	sld [smem:$0x3FB0]  }
0x2a: {  	p0 =	seq.s32 s5, $0x0;
	s5 =	sld [smem:$0x3FB1]  }
0x2b: {  	s6 =	sld [smem:$0x3FB2]  }
0x2c: {  	s7 =	sld [smem:$0x3FB3]  }
0x2d: {  	s3 =	simm.s32 $0x108;
	s8 =	sld [smem:$0x3FB4]  }
0x2e: {  	s3 =	simm.s32 @!p0 $0x1082;
	s9 =	sld [smem:$0x3FB5]  }
0x2f: {  	lr =	sadd.s32 s0, s3;
	s0 =	sld [smem:$0x3FAC]  }
0x30: {  	s3 =	sld [smem:$0x3FAF]  }
0x31: {  	[smem:$0x3FB8] =	sst s10  }
0x32: {  	s10 =	sld [smem:$0x3FB6];
	_ =	sdelay $0x3  }
0x33: {  	p0 =	seq.s32 s10, $0x1;
	s10 =	sld [smem:$0x3FB8];
	_ =	sdelay $0x3  }
0x34: {  	[smem:$0x3FB8] =	sst s10  }
0x35: {  	s10 =	sld [smem:$0x3FB7];
	_ =	sdelay $0x3  }
0x36: {  	p1 =	seq.s32 s10, $0x1;
	s10 =	sld [smem:$0x3FB8];
	_ =	sdelay $0x3  }
0x37: {  	[smem:$0x3FB8] =	sst s10  }
0x38: {  	s10 =	sld [smem:$0x3FB9]  }
0x39: {  	_ = 	snop;
	(pc) =	sbr.ind lr, $3  }
0x3a: {  	_ = 	snop  }
0x3b: {  	_ = 	snop  }
0x3c: {  	p2 =	seq.s32 s10, $0x1;
	s10 =	sld [smem:$0x3FB8]  }
0x3d: {  	_ =	shalt  }
0x3e: {  	_ =	shalt  }
0x3f: {  	_ =	shalt  }
0x40: {  	_ =	shalt  }
0x41: {  	_ =	shalt  }
0x42: {  	_ =	shalt  }
0x43: {  	_ =	shalt  }
0x44: {  	_ =	shalt  }
0x45: {  	_ =	shalt  }
0x46: {  	_ =	shalt  }
0x47: {  	_ =	shalt  }
0x48: {  	_ =	shalt  }
0x49: {  	_ =	shalt  }
0x4a: {  	_ =	shalt  }
0x4b: {  	_ =	shalt  }
0x4c: {  	_ =	shalt  }
0x4d: {  	_ =	shalt  }
0x4e: {  	_ =	shalt  }
0x4f: {  	_ =	shalt  }
0x50: {  	_ =	shalt  }
0x51: {  	_ =	shalt  }
0x52: {  	_ =	shalt  }
0x53: {  	_ =	shalt  }
0x54: {  	_ =	shalt  }
0x55: {  	_ =	shalt  }
0x56: {  	_ =	shalt  }
0x57: {  	_ =	shalt  }
0x58: {  	_ =	shalt  }
0x59: {  	_ =	shalt  }
0x5a: {  	_ =	shalt  }
0x5b: {  	_ =	shalt  }
0x5c: {  	_ =	shalt  }
0x5d: {  	_ =	shalt  }
0x5e: {  	_ =	shalt  }
0x5f: {  	_ =	shalt  }
0x60: {  	_ =	shalt  }
0x61: {  	_ =	shalt  }
0x62: {  	_ =	shalt  }
0x63: {  	_ =	shalt  }
0x64: {  	_ =	shalt  }
0x65: {  	_ =	shalt  }
0x66: {  	_ =	shalt  }
0x67: {  	_ =	shalt  }
0x68: {  	_ =	shalt  }
0x69: {  	_ =	shalt  }
0x6a: {  	_ =	shalt  }
0x6b: {  	_ =	shalt  }
0x6c: {  	_ =	shalt  }
0x6d: {  	_ =	shalt  }
0x6e: {  	_ =	shalt  }
0x6f: {  	_ =	shalt  }
0x70: {  	_ =	shalt  }
0x71: {  	_ =	shalt  }
0x72: {  	_ =	shalt  }
0x73: {  	_ =	shalt  }
0x74: {  	_ =	shalt  }
0x75: {  	_ =	shalt  }
0x76: {  	_ =	shalt  }
0x77: {  	_ =	shalt  }
0x78: {  	_ =	shalt  }
0x79: {  	_ =	shalt  }
0x7a: {  	_ =	shalt  }
0x7b: {  	_ =	shalt  }
0x7c: {  	_ =	shalt  }
0x7d: {  	_ =	shalt  }
0x7e: {  	_ =	shalt  }
0x7f: {  	_ =	shalt  }
0x80: {  	_ =	shalt  }
0x81: {  	_ =	shalt  }
0x82: {  	_ =	shalt  }
0x83: {  	_ =	shalt  }
0x84: {  	_ =	shalt  }
0x85: {  	_ =	shalt  }
0x86: {  	_ =	shalt  }
0x87: {  	_ =	shalt  }
.Lfunc_end0:
.L_simem_size_0:
called_computation_lowered:
.L_overlay_start_0:
0x88: {  	s2 =	sld [smem:$0x3FD9]  }
0x89: {  	s3 =	sld [smem:$0x3FFE];
	_ =	sdelay $0x1  }
0x8a: {  	s1 =	srdreg.scid  }
0x8b: {  	s0 =	sand.u32 $0x1, s1  }
0x8c: {  	s14 =	sshll.u32 s0, $0xA;
	s2 =	sadd.s32 s3, s2  }
0x8d: {  	s2 =	sadd.s32 s2, s14  }
0x8e: {  	[smem:$0x3FC4] =	sst s2  }
0x8f: {  	_ = 	snop  }
0x90: {  	s2 =	sld [smem:$0x3FD0];
	_ =	sdelay $0x1  }
0x91: {  	s15 =	sld [smem:$0x3FC9]  }
0x92: {  	s5 =	simm.s32 $0xA;
	s6 =	simm.s32 $0x10;
	s4 =	sld [smem:$0x3FC8]  }
0x93: {  	[smem:s6], [sflag:s5] =	dma.local [hbm:s2], $0x1  }
0x94: {  	_ =	swait.eq [sflag:s5], $0x1  }
0x95: {  	s16 =	sld [smem:$0x10];
	[sflag:s5] =	ssyncset.done $0x0  }
0x96: {  	s17 =	sld [smem:$0x11];
	[sflag:s5] =	ssyncadd.s32 $0xFFFFFFFF  }
0x97: {  	s18 =	sld [smem:$0x12];
	(tm) =	ssettm $0x1  }
0x98: {  	s7 =	sld [smem:$0x3FFB];
	_ =	sdelay $0x3  }
0x99: {  	_ =	strace s7  }
0x9a: {  	s7 =	sld [smem:$0x3FFC];
	_ =	sdelay $0x3  }
0x9b: {  	_ =	strace s7  }
0x9c: {  	s7 =	sld [smem:$0x3FFD];
	_ =	sdelay $0x3  }
0x9d: {  	_ =	strace s7  }
0x9e: {  	_ =	strace $0x8FFFFFFF  }
0x9f: {  	s19 =	sld [smem:$0x3FDB];
	_ =	sdelay $0x1  }
0xa0: {  	s8 =	simm.s32 $_scs_section_size  }
0xa1: {  	s9 =	simm.s32 $_size__tile_overlayer_lowered;
	s10 =	simm.s32 $_tile_overlayer_lowered  }
0xa2: {  	s22 =	simm.s32 $0x1BFF;
	s21 =	sshll.u32 s10, $0x1;
	s7 =	sadd.s32 s8, s19  }
0xa3: {  	s11 =	simm.s32 $0x0;
	s20 =	sshll.u32 s9, $0x1;
	s9 =	sadd.s32 s21, s7  }
0xa4: {  	[timem:s11], [sflag:s22] =	dma.local [hbm:s9], s20  }
0xa5: {  	_ =	swait.ge [sflag:s22], s20  }
0xa6: {  	s8 =	ssub.s32 $0x0, s20;
	[sflag:s22] =	ssyncset.done $0x0  }
0xa7: {  	[sflag:s22] =	ssyncadd.s32 s8;
	_ =	sdelay $0x1  }
0xa8: {  	s23 =	simm.s32 $0x1B8B  }
0xa9: {  	_ =	swait.ge [sflag:s23], $0x1  }
0xaa: {  	[sflag:s23] =	ssyncset.done $0x0  }
0xab: {  	s25 =	simm.s32 $0x1B8E;
	s24 =	sld [smem:$0x3FFE];
	[sflag:s23] =	ssyncadd.s32 $0xFFFFFFFF  }
0xac: {  	s26 =	simm.s32 $execute0_lowered;
	[smem:$0x3FD2] =	sst s25  }
0xad: {  	s9 =	sshll.u32 s26, $0x1;
	_ =	strace $0x80000046;
	[dreg:$0x1] =	wrdreg $0xFFFFFFFF  }
0xae: {  	s28 =	simm.s32 $_size_execute0_lowered;
	s7 =	sadd.s32 s7, s9;
	[dreg:$0x0] =	wrdreg $0x0  }
0xaf: {  	s9 =	sshll.u32 s28, $0x1;
	[dreg:$0x2] =	wrdreg s7  }
0xb0: {  	[dreg:$0x3] =	wrdreg s9  }
0xb1: {  	[dreg:$0x4] =	wrdreg $0xC0  }
0xb2: {  	_ =	task [dreg:s11], $0x5FFFF  }
0xb3: {  	[dreg:$0x1] =	wrdreg $0xFFFFFFFF  }
0xb4: {  	[dreg:$0x0] =	wrdreg $0x60  }
0xb5: {  	[dreg:$0x2] =	wrdreg s24  }
0xb6: {  	[dreg:$0x3] =	wrdreg s4  }
0xb7: {  	[dreg:$0x4] =	wrdreg s15  }
0xb8: {  	[dreg:$0x5] =	wrdreg s18  }
0xb9: {  	[dreg:$0x6] =	wrdreg s16  }
0xba: {  	[dreg:$0x7] =	wrdreg s17  }
0xbb: {  	[dreg:$0x8] =	wrdreg $0x9  }
0xbc: {  	_ =	task.clear_ibuf [dreg:s11], $0x9FFFF;
	_ =	strace $0x90000046  }
0xbd: {  	s29 =	simm.s32 $0x9;
	_ =	strace $0x80000048  }
0xbe: {  	_ =	swait.ge [sflag:s29], $0x1  }
0xbf: {  	[sflag:s29] =	ssyncadd.s32 $0xFFFFFFFF  }
0xc0: {  	_ =	strace $0x90000048  }
0xc1: {  	_ =	sfence  }
0xc2: {  	s30 =	sld [smem:$0x0];
	_ =	sdelay $0x2  }
0xc3: {  	s31 =	sshll.u32 s1, $0xD;
	s1 =	sshrl.u32 s1, $0x2  }
0xc4: {  	s3 =	sand.u32 $0x4000, s31;
	s1 =	sadd.s32 s1, s30  }
0xc5: {  	s0 =	sor.u32 s3, s0;
	s1 =	sshll.u32 s1, $0x11  }
0xc6: {  	s0 =	sor.u32 s1, s0  }
0xc7: {  	s0 =	sadd.s32 $0x8F2B, s0  }
0xc8: {  	[sflag:s0] =	ssyncadd.remote.s32 $0x1  }
0xc9: {  	_ =	sfence.sel $0xFFFF  }
0xca: {  	[dreg:$0x0] =	wrdreg $0xFFFFFFFF;
	(pc) =	sbr.abs _section_cstart, $3  }
0xcb: {  	[dreg:$0x1] =	wrdreg $0xFFFFFFFF  }
0xcc: {  	_ =	task.clear_ibuf [dreg:s11], $0x2FFFF;
	_ =	strace $0x9FFFFFFF  }
0xcd: {  	(tm) =	ssettm $0x7FFFFFFF  }
tec
execute0_lowered:
.L_overlay_start_1:
0x0: {  	(tag) =	ssettag $0x1  }
0x1: {  	s4 =	rddreg [dreg:$0x0]  }
0x2: {  	s6 =	rddreg [dreg:$0x1]  }
0x3: {  	s1 =	rddreg [dreg:$0x2]  }
0x4: {  	s11 =	rddreg [dreg:$0x3]  }
0x5: {  	s12 =	rddreg [dreg:$0x4]  }
0x6: {  	s8 =	rddreg [dreg:$0x5]  }
0x7: {  	s0 =	rddreg [dreg:$0x6]  }
0x8: {  	s5 =	srdreg.scid;
	s2 =	stileid.u32  }
0x9: {  	s3 =	simm.s32 $0x0;
	s15 =	simm.s32 $0x2800;
	s16 =	simm.s32 $0x50  }
0xa: {  	s17 =	simm.s32 $0x2900;
	s5 =	sand.u32 $0x1, s5;
	s7 =	sshll.u32 s2, $0x1  }
0xb: {  	s18 =	simm.s32 $0x2850;
	s21 =	simm.s32 $0x0;
	s14 =	sor.u32 s5, s7  }
0xc: {  	[smem:$0x7FF] =	sst s3;
	s4 =	sadd.s32 $0xC00, s4;
	s7 =	smul.u32 $0x9C0, s14  }
0xd: {  	s9 =	ssub.s32 $0x2, s5;
	_ =	strace $0x80000047;
	s19 =	smul.u32 $0xA0, s14  }
0xe: {  	s30 =	sshrl.u32 s9, $0x1;
	s10 =	smul.u32 $0xA00, s14;
	p0 =	seq.s32 s14, $0x1F  }
0xf: {  	s14 =	simm.s32 $0x3;
	s13 =	ssub.s32 s9, s30;
	s5 =	sadd.s32 s6, s7  }
0x10: {  	s6 =	sadd.s32 $0x12E40, s6;
	s20 =	sadd.s32 $0xA0, s19;
	s7 =	sadd.s32 s8, s7  }
0x11: {  	s31 =	sshrl.u32 s19, $0x3;
	s8 =	sadd.s32 $0x12E40, s8;
	s10 =	sadd.s32 s12, s10  }
0x12: {  	s12 =	sadd.s32 $0x13600, s12;
	s13 =	smax.u32 s13, $0x1;
	v0 =	vmov s19;
	s19 =	simm.s32 $0x5100  }
0x13: {  	v2 =	vlaneseq.u32;
	s9 =	sadd.s32 s11, s31;
	s11 =	sadd.s32 $0x26C, s11;
	v1 =	vmov s20;
	s20 =	simm.s32 $0x2  }
.LBB2_1:
0x14: {  	[tilespmem:s3], [sflag:$0x3] =	stream.linear.gather [hbm4b:s4+s3], $0x2800, $0x38;
	[tilespmem:$0xCB00] =	vst v63  }
0x15: {  	_ =	swait.ge [sflag:s14], $0x2800  }
0x16: {  	[sflag:s14] =	ssyncset.done $0x0  }
0x17: {  	s22 =	simm.s32 @p0 $0x0;
	s23 =	simm.s32 @p0 $0x7900;
	[sflag:s14] =	ssyncadd.s32 $0xFFFFD800  }
0x18: {  	[tilespmem:s23], [sflag:$0x1] =	stream.linear.gather @p0 [hbm4b:s6+s22], $0x5200, $0x38;
	[tilespmem:$0xCB00] =	vst v63  }
0x19: {  	s22 =	simm.s32 @!p0 $0x0;
	s23 =	simm.s32 @!p0 $0x7900  }
0x1a: {  	[tilespmem:s23], [sflag:$0x1] =	stream.linear.gather @!p0 [hbm4b:s5+s22], $0x4E00, $0x38;
	[tilespmem:$0xCB00] =	vst v63  }
0x1b: {  	s24 =	simm.s32 $0x0;
	s23 =	simm.s32 $0x10;
	s22 =	simm.s32 $0x0;
	v3 =	vld [tilespmem:s3+$0x0]  }
.LBB2_2:
0x1c: {  	p1 =	sne.s32 s23, $0x27F0;
	_ =	sdelay $0x3  }
0x1d: {  	vm0 =	vge.s32 v3, v0;
	vm1 =	vlt.s32 v3, v1  }
0x1e: {  	vm0 =	vmand vm0, vm1  }
0x1f: {  	v3 =	vsub.s32 v3, v0;
	_ =	sdelay $0x1  }
.Ltmp0:
0x20: {  	(pc) =	sbr.rel @p1 .LBB2_2-.Ltmp0, $4  }
0x21: {  	_ = 	snop  }
0x22: {  	v4 =	vor.u32 s22, v2;
	s22 =	smov.u32 s23  }
0x23: {  	s24 =	sadd.s32 $0x10, s24;
	[tilespmem:v3+s15+$0x0] =	vst.idx.msk vm0, v4  }
0x24: {  	s23 =	sadd.s32 $0x10, s23;
	v3 =	vld [tilespmem:s24+$0x0]  }
0x25: {  	_ =	sdelay $0x3  }
0x26: {  	vm0 =	vge.s32 v3, v0;
	vm1 =	vlt.s32 v3, v1  }
0x27: {  	vm0 =	vmand vm0, vm1  }
0x28: {  	v3 =	vsub.s32 v3, v0;
	_ =	sdelay $0x3  }
0x29: {  	v4 =	vor.u32 s22, v2  }
0x2a: {  	[tilespmem:v3+s15+$0x0] =	vst.idx.msk vm0, v4  }
0x2b: {  	[tilespmem:s17], [sflag:$0x2] =	stream.indirect.gather [hbm4b:s1+s16], $0x80, s15, s16, $0xb8;
	[tilespmem:$0xCB00] =	vst v63  }
0x2c: {  	s22 =	simm.s32 @p0 $0x1  }
0x2d: {  	[tilespmem:s19], [sflag:$0x2] =	stream.indirect.gather [hbm4b:s1+s16], $0x80, s18, s16, $0xb8;
	[tilespmem:$0xCB00] =	vst v63  }
0x2e: {  	_ =	swait.ge @p0 [sflag:s22], $0x5200  }
0x2f: {  	[sflag:s22] =	ssyncset.done @p0 $0x0  }
0x30: {  	[sflag:s22] =	ssyncadd.s32 @p0 $0xFFFFAE00;
	s22 =	simm.s32 @!p0 $0x1  }
0x31: {  	s23 =	simm.s32 $0x0;
	_ =	swait.ge @!p0 [sflag:s22], $0x4E00  }
0x32: {  	s24 =	sand.u32 $0x70, s23;
	s23 =	sand.u32 $0xFFFFFF00, s23;
	[sflag:s22] =	ssyncset.done @!p0 $0x0  }
0x33: {  	[sflag:s22] =	ssyncadd.s32 @!p0 $0xFFFFB200;
	s22 =	sor.u32 s24, s23  }
0x34: {  	v3 =	vld [tilespmem:s22+$0x7900];
	_ =	sdelay $0x6  }
0x35: {  	s23 =	simm.s32 @!p0 $0x270  }
0x36: {  	s23 =	simm.s32 @p0 $0x290;
	v4 =	vld.idx.msk [tilespmem:v3+s3+$0x0], $0xffff  }
0x37: {  	s23 =	sshll.u32 s23, $0x4;
	v3 =	vld [tilespmem:s22+$0x7980]  }
0x38: {  	p1 =	sne.s32 s23, $0x10  }
.Ltmp1:
0x39: {  	_ = 	snop;
	(pc) =	sbr.rel @!p1 .LBB2_5-.Ltmp1, $3  }
0x3a: {  	_ =	sdelay $0x1  }
0x3b: {  	vm15 =	vlt.s32 v4, $0x1388  }
0x3c: {  	s25 =	simm.s32 $0x20;
	s24 =	simm.s32 $0x10;
	v4 =	vnsel vm15, $0x0, v4  }
.LBB2_4:
0x3d: {  	s26 =	sand.u32 $0x70, s24;
	s28 =	sand.u32 $0xFFFFFF00, s25;
	s24 =	sadd.s32 $0x10, s24;
	[tilespmem:s22+$0x7900] =	vst v4  }
0x3e: {  	s26 =	sor.u32 s26, s28;
	p1 =	sne.s32 s23, s24;
	v3 =	vld.idx.msk [tilespmem:v3+s3+$0x0], $0xffff  }
0x3f: {  	v4 =	vld [tilespmem:s26+$0x7900];
	_ =	sdelay $0x4  }
0x40: {  	vm0 =	vlt.s32 v3, $0x1388  }
0x41: {  	v3 =	vnsel vm0, $0x0, v3  }
0x42: {  	[tilespmem:s22+$0x7980] =	vst v3;
	s22 =	smov.u32 s26  }
0x43: {  	v4 =	vld.idx.msk [tilespmem:v4+s3+$0x0], $0xffff  }
0x44: {  	v3 =	vld [tilespmem:s22+$0x7980];
	_ =	sdelay $0x1  }
.Ltmp2:
0x45: {  	(pc) =	sbr.rel @p1 .LBB2_4-.Ltmp2, $3  }
0x46: {  	_ =	sdelay $0x1  }
0x47: {  	vm0 =	vlt.s32 v4, $0x1388  }
0x48: {  	s25 =	sadd.s32 $0x20, s25;
	v4 =	vnsel vm0, $0x0, v4  }
.LBB2_5:
0x49: {  	_ =	sdelay $0x2  }
0x4a: {  	[tilespmem:s22+$0x7900] =	vst v4  }
0x4b: {  	v3 =	vld.idx.msk [tilespmem:v3+s3+$0x0], $0xffff;
	_ =	sdelay $0x4  }
0x4c: {  	vm0 =	vlt.s32 v3, $0x1388  }
0x4d: {  	v3 =	vnsel vm0, $0x0, v3  }
0x4e: {  	s23 =	simm.s32 @p0 $0x7900;
	[tilespmem:s22+$0x7980] =	vst v3;
	s22 =	simm.s32 @p0 $0x0  }
0x4f: {  	[hbm4b:s8+s22] =	stream.linear.scatter @p0 [tilespmem:s23], [sflag:$0x3], $0x5200, $0x38;
	[tilespmem:$0xCB00] =	vst v63  }
0x50: {  	s23 =	simm.s32 @p0 $0x3  }
0x51: {  	_ =	swait.ge @p0 [sflag:s23], $0x5200  }
0x52: {  	[sflag:s23] =	ssyncset.done @p0 $0x0  }
0x53: {  	s24 =	simm.s32 @!p0 $0x0;
	s25 =	simm.s32 @!p0 $0x7900;
	[sflag:s23] =	ssyncadd.s32 @p0 $0xFFFFAE00  }
0x54: {  	[hbm4b:s7+s24] =	stream.linear.scatter @!p0 [tilespmem:s25], [sflag:$0x3], $0x4E00, $0x38;
	[tilespmem:$0xCB00] =	vst v63  }
0x55: {  	s25 =	simm.s32 @!p0 $0x3  }
0x56: {  	_ =	swait.ge @!p0 [sflag:s25], $0x4E00  }
0x57: {  	[sflag:s25] =	ssyncset.done @!p0 $0x0  }
0x58: {  	[sflag:s25] =	ssyncadd.s32 @!p0 $0xFFFFB200  }
0x59: {  	_ =	swait.ge [sflag:s20], $0x2800  }
0x5a: {  	[sflag:s20] =	ssyncset.done $0x0  }
0x5b: {  	[sflag:s20] =	ssyncadd.s32 $0xFFFFD800  }
0x5c: {  	_ =	swait.ge [sflag:s20], $0x2800  }
0x5d: {  	[sflag:s20] =	ssyncset.done $0x0  }
0x5e: {  	s26 =	simm.s32 @p0 $0x2800;
	[sflag:s20] =	ssyncadd.s32 $0xFFFFD800  }
0x5f: {  	[hbm4b:s11+s22] =	stream.linear.scatter @p0 [tilespmem:s26], [sflag:$0x3], $0x28, $0x38;
	[tilespmem:$0xCB00] =	vst v63  }
0x60: {  	_ =	swait.ge @p0 [sflag:s23], $0x28  }
0x61: {  	[sflag:s23] =	ssyncset.done @p0 $0x0  }
0x62: {  	s26 =	simm.s32 @p0 $0x2900;
	[sflag:s23] =	ssyncadd.s32 @p0 $0xFFFFFFD8  }
0x63: {  	[hbm4b:s12+s22] =	stream.linear.scatter @p0 [tilespmem:s26], [sflag:$0x3], $0x1400, $0x38;
	[tilespmem:$0xCB00] =	vst v63  }
0x64: {  	_ =	swait.ge @p0 [sflag:s23], $0x1400  }
0x65: {  	[sflag:s23] =	ssyncset.done @p0 $0x0  }
0x66: {  	s22 =	simm.s32 @!p0 $0x2800;
	[sflag:s23] =	ssyncadd.s32 @p0 $0xFFFFEC00  }
0x67: {  	[hbm4b:s9+s24] =	stream.linear.scatter @!p0 [tilespmem:s22], [sflag:$0x3], $0xA0, $0x38;
	[tilespmem:$0xCB00] =	vst v63  }
0x68: {  	s21 =	sadd.s32 $0x1, s21;
	_ =	swait.ge @!p0 [sflag:s25], $0xA0  }
0x69: {  	p1 =	sne.s32 s21, s13;
	[sflag:s25] =	ssyncset.done @!p0 $0x0  }
.Ltmp3:
0x6a: {  	s22 =	simm.s32 @!p0 $0x2900;
	[sflag:s25] =	ssyncadd.s32 @!p0 $0xFFFFFF60;
	(pc) =	sbr.rel @p1 .LBB2_1-.Ltmp3, $4  }
0x6b: {  	[hbm4b:s10+s24] =	stream.linear.scatter @!p0 [tilespmem:s22], [sflag:$0x3], $0x5000, $0x38;
	[tilespmem:$0xCB00] =	vst v63  }
0x6c: {  	_ =	swait.ge @!p0 [sflag:s25], $0x5000  }
0x6d: {  	[sflag:s25] =	ssyncset.done @!p0 $0x0  }
0x6e: {  	[sflag:s25] =	ssyncadd.s32 @!p0 $0xFFFFB000  }
0x6f: {  	_ =	sfence.sel $0x180000  }
0x70: {  	[bflag:$0x0] =	sbarrier.arrive $0xFFFF  }
0x71: {  	p0 =	sne.s32 s2, $0x0;
	_ =	strace $0x90000047  }
0x72: {  	s0 =	sadd.s32 @!p0 $0x100000, s0;
	[bflag:$0x2] =	sbarrier.arrive $0xFFFF  }
0x73: {  	[sflag:s0] =	ssyncadd.tile.s32 @!p0 $0x1;
	_ =	shalt  }
.Lfunc_end2:
_tile_overlayer_lowered:
.L_overlay_start_2:
0x74: {  	(tag) =	ssettag $0x2  }
0x75: {  	s0 =	rddreg [dreg:$0x0];
	s2 =	stileid.u32  }
0x76: {  	s1 =	rddreg [dreg:$0x1];
	p0 =	sne.s32 s2, $0x0  }
0x77: {  	s3 =	rddreg [dreg:$0x2];
	[bflag:$0x3] =	sbarrier.arrive $0xFFFF;
	s2 =	simm.s32 @!p0 $0x1C03  }
0x78: {  	[timem:s3], [sflag:s2] =	dma.local @!p0 [hbm:s0], s1  }
0x79: {  	s0 =	simm.s32 @!p0 $0x3  }
0x7a: {  	_ =	swait.ge @!p0 [sflag:s0], s1  }
0x7b: {  	s1 =	ssub.s32 @!p0 $0x0, s1;
	[sflag:s0] =	ssyncset.done @!p0 $0x0  }
0x7c: {  	[sflag:s0] =	ssyncadd.s32 @!p0 s1  }
0x7d: {  	[bflag:$0x3] =	sbarrier.arrive $0xFFFF  }
0x7e: {  	_ =	shalt  }

</sc_bundles>
